<compile_context>
chip_gen: v7x
topology: tpu7x:2x2x1
jax: 0.10.2.dev20260603
libtpu: 0.0.44.dev20260713+nightly
codegen_flags: <defaults>
</compile_context>

<pallas_src>
import functools

import jax
import jax.numpy as jnp
from jax import lax
from jax.experimental import pallas as pl
from jax.experimental.pallas import tpu as pltpu
from jax.experimental.pallas import tpu_sc as plsc

N = 10000
E = 320000
IN_DIM = 128
HID_DIM = 128
OUT_DIM = 16
NODE = 500

NC = 2
NS = 16
NW = NC * NS
EW = E // NW
C = 250
NCHUNK = EW // C
CS = 625
NCHUNKS = EW // CS
NPAD = 10240
RPT = NPAD // NS

_H2 = HID_DIM // 2
_f32 = jnp.float32
_SDS = jax.ShapeDtypeStruct
_SC_PARAMS = pltpu.CompilerParams(use_tc_tiling_on_sc=False)


def _make_mesh():
    return plsc.VectorSubcoreMesh(core_axis_name="c", subcore_axis_name="s",
                                  num_cores=NC, num_subcores=NS)


DW = 16


@functools.cache
def _make_deg_kernel():
    return functools.partial(
        pl.kernel,
        out_type=(_SDS((NC, NPAD, DW), _f32), _SDS((NC, NPAD, DW), _f32)),
        mesh=_make_mesh(),
        scratch_types=[
            pltpu.VMEM((NCHUNKS, CS), jnp.int32),
            pltpu.VMEM((NCHUNKS, CS), jnp.int32),
            pltpu.VMEM((CS, DW), _f32),
            pltpu.VMEM_SHARED((NPAD, DW), _f32),
            pltpu.VMEM_SHARED((NPAD, DW), _f32),
        ],
        compiler_params=_SC_PARAMS,
    )(_deg_body)


def _deg_body(edges_hbm, ones_hbm, zeros_hbm, dout_hbm, din_hbm,
              srcv, dstv, onesv, hout, hin):
    c = lax.axis_index("c")
    s = lax.axis_index("s")
    wid = c * NS + s
    pltpu.sync_copy(edges_hbm.at[0, wid], srcv)
    pltpu.sync_copy(edges_hbm.at[1, wid], dstv)
    pltpu.sync_copy(ones_hbm, onesv)
    r0 = s * RPT
    pltpu.sync_copy(zeros_hbm.at[pl.ds(r0, RPT)], hout.at[pl.ds(r0, RPT)])
    pltpu.sync_copy(zeros_hbm.at[pl.ds(r0, RPT)], hin.at[pl.ds(r0, RPT)])
    plsc.subcore_barrier()

    @pl.loop(0, NCHUNKS)
    def _(j):
        pltpu.sync_copy(onesv, hout.at[srcv.at[j]], add=True)
        pltpu.sync_copy(onesv, hin.at[dstv.at[j]], add=True)

    plsc.subcore_barrier()
    pltpu.sync_copy(hout.at[pl.ds(r0, RPT)], dout_hbm.at[c, pl.ds(r0, RPT)])
    pltpu.sync_copy(hin.at[pl.ds(r0, RPT)], din_hbm.at[c, pl.ds(r0, RPT)])


def _agg_body(rows_hbm, edges_hbm, ain_hbm, b2_hbm, zeros_hbm, out_hbm,
              srcv, dstv, buf0, buf1, acc, rbuf, ainv, b2v, sem0, sem1):
    c = lax.axis_index("c")
    s = lax.axis_index("s")
    wid = c * NS + s
    pltpu.sync_copy(edges_hbm.at[0, wid], srcv)
    pltpu.sync_copy(edges_hbm.at[1, wid], dstv)
    r0 = s * RPT
    pltpu.sync_copy(zeros_hbm.at[pl.ds(r0, RPT)], acc.at[pl.ds(r0, RPT)])
    plsc.subcore_barrier()

    def start(j, buf, sem):
        pltpu.async_copy(rows_hbm.at[srcv.at[j]], buf, sem)

    def finish(j, buf, sem):
        pltpu.make_async_copy(rows_hbm.at[srcv.at[j]], buf, sem).wait()

    def scatadd(j, buf):
        pltpu.sync_copy(buf, acc.at[dstv.at[j]], add=True)

    nch = srcv.shape[0]
    start(0, buf0, sem0)

    @pl.loop(0, nch - 2, step=2)
    def _(j):
        start(j + 1, buf1, sem1)
        finish(j, buf0, sem0)
        scatadd(j, buf0)
        start(j + 2, buf0, sem0)
        finish(j + 1, buf1, sem1)
        scatadd(j + 1, buf1)

    start(nch - 1, buf1, sem1)
    finish(nch - 2, buf0, sem0)
    scatadd(nch - 2, buf0)
    finish(nch - 1, buf1, sem1)
    scatadd(nch - 1, buf1)

    plsc.subcore_barrier()
    pltpu.sync_copy(acc.at[pl.ds(r0, RPT)], rbuf)
    pltpu.sync_copy(ain_hbm.at[pl.ds(r0, RPT)], ainv)
    pltpu.sync_copy(b2_hbm, b2v)
    fac = jnp.where(c == 0, 1.0, 0.0)
    b2eff = b2v[0] * fac

    @pl.loop(0, RPT)
    def _(r):
        rbuf[r] = rbuf[r] * ainv[r] + b2eff

    pltpu.sync_copy(rbuf, out_hbm.at[c, pl.ds(r0, RPT)])


def _agg_chunks(D):
    return (CS, NCHUNKS) if D <= 16 else (C, NCHUNK)


def _agg_scratch(D):
    c_, n_ = _agg_chunks(D)
    return [
        pltpu.VMEM((n_, c_), jnp.int32),
        pltpu.VMEM((n_, c_), jnp.int32),
        pltpu.VMEM((c_, D), _f32),
        pltpu.VMEM((c_, D), _f32),
        pltpu.VMEM_SHARED((NPAD, D), _f32),
        pltpu.VMEM((RPT, D), _f32),
        pltpu.VMEM((RPT, DW), _f32),
        pltpu.VMEM((1, D), _f32),
        pltpu.SemaphoreType.DMA,
        pltpu.SemaphoreType.DMA,
    ]


def _agg2_body(rowsa_hbm, rowsb_hbm, edges_hbm, zeros_hbm, out_hbm,
               srcv, dstv, buf0, buf1, acc, sem0, sem1):
    c = lax.axis_index("c")
    s = lax.axis_index("s")
    wid = c * NS + s
    pltpu.sync_copy(edges_hbm.at[0, wid], srcv)
    pltpu.sync_copy(edges_hbm.at[1, wid], dstv)
    r0 = s * RPT

    for half, rows_hbm in enumerate((rowsa_hbm, rowsb_hbm)):
        col0 = half * _H2

        def start(j, buf, sem, rows_hbm=rows_hbm):
            pltpu.async_copy(rows_hbm.at[srcv.at[j]], buf, sem)

        def finish(j, buf, sem, rows_hbm=rows_hbm):
            pltpu.make_async_copy(rows_hbm.at[srcv.at[j]], buf, sem).wait()

        def scatadd(j, buf):
            pltpu.sync_copy(buf, acc.at[dstv.at[j]], add=True)

        pltpu.sync_copy(zeros_hbm.at[pl.ds(r0, RPT)], acc.at[pl.ds(r0, RPT)])
        plsc.subcore_barrier()

        start(0, buf0, sem0)

        @pl.loop(0, NCHUNK - 2, step=2)
        def _(j):
            start(j + 1, buf1, sem1)
            finish(j, buf0, sem0)
            scatadd(j, buf0)
            start(j + 2, buf0, sem0)
            finish(j + 1, buf1, sem1)
            scatadd(j + 1, buf1)

        start(NCHUNK - 1, buf1, sem1)
        finish(NCHUNK - 2, buf0, sem0)
        scatadd(NCHUNK - 2, buf0)
        finish(NCHUNK - 1, buf1, sem1)
        scatadd(NCHUNK - 1, buf1)

        plsc.subcore_barrier()
        pltpu.sync_copy(acc.at[pl.ds(r0, RPT)],
                        out_hbm.at[c, pl.ds(r0, RPT), pl.ds(col0, _H2)])


@functools.cache
def _make_agg2():
    return functools.partial(
        pl.kernel,
        out_type=_SDS((NC, NPAD, HID_DIM), _f32),
        mesh=_make_mesh(),
        scratch_types=[
            pltpu.VMEM((NCHUNK, C), jnp.int32),
            pltpu.VMEM((NCHUNK, C), jnp.int32),
            pltpu.VMEM((C, _H2), _f32),
            pltpu.VMEM((C, _H2), _f32),
            pltpu.VMEM_SHARED((NPAD, _H2), _f32),
            pltpu.SemaphoreType.DMA,
            pltpu.SemaphoreType.DMA,
        ],
        compiler_params=_SC_PARAMS,
    )(_agg2_body)


@functools.cache
def _make_agg(D):
    return functools.partial(
        pl.kernel,
        out_type=_SDS((NC, NPAD, D), _f32),
        mesh=_make_mesh(),
        scratch_types=_agg_scratch(D),
        compiler_params=_SC_PARAMS,
    )(_agg_body)


_R = 1000
_G = N // _R


def _tc1_body(x_ref, f_ref, w_ref, dop_ref, dip_ref,
              hwsa_ref, hwsb_ref, ain_ref, aout_ref):
    i = pl.program_id(0)
    tail = jnp.concatenate([x_ref[:_R - NODE], f_ref[...]], axis=0)
    feat = jnp.where(i == _G - 1, tail, x_ref[...])
    a_out = lax.rsqrt(jnp.maximum((dop_ref[0] + dop_ref[1])[:, :1], 1.0))
    a_in = lax.rsqrt(jnp.maximum((dip_ref[0] + dip_ref[1])[:, :1], 1.0))
    hw = jnp.dot(feat, w_ref[...], preferred_element_type=_f32)
    hws = hw * a_out
    hwsa_ref[...] = hws[:, :_H2]
    hwsb_ref[...] = hws[:, _H2:]
    ain_ref[...] = jnp.broadcast_to(a_in, (_R, DW))
    aout_ref[...] = a_out


def _tc1(x, feature, W1, dout_p, din_p):
    return pl.pallas_call(
        _tc1_body,
        grid=(_G,),
        in_specs=[
            pl.BlockSpec((_R, IN_DIM), lambda i: (i, 0)),
            pl.BlockSpec((NODE, IN_DIM), lambda i: (0, 0)),
            pl.BlockSpec((IN_DIM, HID_DIM), lambda i: (0, 0)),
            pl.BlockSpec((NC, _R, DW), lambda i: (0, i, 0)),
            pl.BlockSpec((NC, _R, DW), lambda i: (0, i, 0)),
        ],
        out_specs=[
            pl.BlockSpec((_R, _H2), lambda i: (i, 0)),
            pl.BlockSpec((_R, _H2), lambda i: (i, 0)),
            pl.BlockSpec((_R, DW), lambda i: (i, 0)),
            pl.BlockSpec((_R, 1), lambda i: (i, 0)),
        ],
        out_shape=[_SDS((N, _H2), _f32), _SDS((N, _H2), _f32),
                   _SDS((NPAD, DW), _f32), _SDS((NPAD, 1), _f32)],
    )(x, feature, W1, dout_p, din_p)


def _tc2_body(agg_ref, ain_ref, b1_ref, w2_ref, aout_ref, out_ref):
    h = jnp.maximum((agg_ref[0] + agg_ref[1]) * ain_ref[:, :1] + b1_ref[...],
                    0.0)
    hw2 = jnp.dot(h, w2_ref[...], preferred_element_type=_f32)
    out_ref[...] = hw2 * aout_ref[...]


def _tc2(agg_p, a_in, b1, W2, a_out):
    return pl.pallas_call(
        _tc2_body,
        grid=(_G,),
        in_specs=[
            pl.BlockSpec((NC, _R, HID_DIM), lambda i: (0, i, 0)),
            pl.BlockSpec((_R, DW), lambda i: (i, 0)),
            pl.BlockSpec((1, HID_DIM), lambda i: (0, 0)),
            pl.BlockSpec((HID_DIM, OUT_DIM), lambda i: (0, 0)),
            pl.BlockSpec((_R, 1), lambda i: (i, 0)),
        ],
        out_specs=pl.BlockSpec((_R, OUT_DIM), lambda i: (i, 0)),
        out_shape=_SDS((N, OUT_DIM), _f32),
    )(agg_p, a_in, b1, W2, a_out)


def kernel(x, edge_index, feature, W1, b1, W2, b2):
    e_c = edge_index.reshape(2, NW, NCHUNK, C)
    e_cs = edge_index.reshape(2, NW, NCHUNKS, CS)
    ones = jnp.ones((CS, DW), _f32)
    zeros64 = jnp.zeros((NPAD, _H2), _f32)
    zeros16 = jnp.zeros((NPAD, OUT_DIM), _f32)

    dout_p, din_p = _make_deg_kernel()(e_cs, ones, zeros16)
    hwsa, hwsb, a_in, a_out = _tc1(x, feature, W1, dout_p, din_p)
    agg1_p = _make_agg2()(hwsa, hwsb, e_c, zeros64)
    hw2s = _tc2(agg1_p, a_in, b1.reshape(1, HID_DIM), W2, a_out)
    agg2_p = _make_agg(OUT_DIM)(hw2s, e_cs, a_in, b2.reshape(1, OUT_DIM),
                                zeros16)
    return agg2_p[0, :N] + agg2_p[1, :N]

# --- scband reference (transcript-rebuilt; emitter-appended) ---
"""Pipeline reference for scband-feature-attack-multiclass-74225624810056 (READ-ONLY COPY).

The authoritative reference and input builder live on the scoring server;
editing this copy changes nothing except your own understanding.
"""

import jax, jax.numpy as jnp
import numpy as np

N = 10000
E = 320000
IN_DIM = 128
HID_DIM = 128
OUT_DIM = 16
NODE = 500


def setup_inputs(seed: int = 0) -> dict:
    key = jax.random.key(seed)
    ks = jax.random.split(key, 6)
    x = jax.random.normal(ks[0], (N, IN_DIM), dtype=jnp.float32)
    edge_index = jax.random.randint(ks[1], (2, E), 0, N, dtype=jnp.int32)
    # learned injected-node feature parameter (init normal(mean=0.5, std=0.5))
    feature = jax.random.normal(ks[2], (NODE, IN_DIM), dtype=jnp.float32) * 0.5 + 0.5
    # 2-layer GCN weights
    W1 = jax.random.normal(ks[3], (IN_DIM, HID_DIM), dtype=jnp.float32) * (1.0 / np.sqrt(IN_DIM))
    b1 = jnp.zeros((HID_DIM,), dtype=jnp.float32)
    W2 = jax.random.normal(ks[4], (HID_DIM, OUT_DIM), dtype=jnp.float32) * (1.0 / np.sqrt(HID_DIM))
    b2 = jnp.zeros((OUT_DIM,), dtype=jnp.float32)
    return {"x": x, "edge_index": edge_index, "feature": feature,
            "W1": W1, "b1": b1, "W2": W2, "b2": b2}


def _gcn_layer(h, src, dst, W, b):
    # DGL GraphConv with norm='both': D^{-1/2} A D^{-1/2} X W + b
    n = h.shape[0]
    ones = jnp.ones((src.shape[0],), dtype=h.dtype)
    deg_out = jax.ops.segment_sum(ones, src, num_segments=n)
    deg_in = jax.ops.segment_sum(ones, dst, num_segments=n)
    deg_out = jnp.clip(deg_out, 1.0, None)
    deg_in = jnp.clip(deg_in, 1.0, None)
    hw = h @ W
    msg = hw[src] * (deg_out[src] ** -0.5)[:, None]
    agg = jax.ops.segment_sum(msg, dst, num_segments=n)
    return agg * (deg_in ** -0.5)[:, None] + b


def reference(x, edge_index, feature, W1, b1, W2, b2):
    src = edge_index[0]
    dst = edge_index[1]
    # forward: replace last `node` rows of g.ndata['feature'] with learned feature param
    feat = jnp.concatenate([x[:-feature.shape[0]], feature], axis=0)
    h = jax.nn.relu(_gcn_layer(feat, src, dst, W1, b1))
    out = _gcn_layer(h, src, dst, W2, b2)
    return out

if __name__ == "__main__":
    import jax
    _d = setup_inputs()
    print(jax.jit(kernel)(*tuple(_d.values())))

</pallas_src>

<mosaic_0001>
#map = affine_map<(d0, d1) -> (0, 0)>
#map1 = affine_map<(d0, d1) -> (0, 0, 0, 0)>
#map2 = affine_map<(d0, d1) -> (0, 0, 0)>
module attributes {stable_mosaic.version = 14 : i64} {
  func.func @_agg2_body(%arg0: i32, %arg1: i32, %arg2: memref<10000x64xf32, #tpu.memory_space<hbm>>, %arg3: memref<10000x64xf32, #tpu.memory_space<hbm>>, %arg4: memref<2x32x40x250xi32, #tpu.memory_space<hbm>>, %arg5: memref<10240x64xf32, #tpu.memory_space<hbm>>, %arg6: memref<2x10240x128xf32, #tpu.memory_space<hbm>>, %arg7: memref<40x250xi32, #tpu.memory_space<vmem>>, %arg8: memref<40x250xi32, #tpu.memory_space<vmem>>, %arg9: memref<250x64xf32, #tpu.memory_space<vmem>>, %arg10: memref<250x64xf32, #tpu.memory_space<vmem>>, %arg11: memref<10240x64xf32, #tpu.memory_space<vmem_shared>>, %arg12: memref<!tpu.dma_semaphore, #tpu.memory_space<semaphore_mem>>, %arg13: memref<!tpu.dma_semaphore, #tpu.memory_space<semaphore_mem>>) attributes {dimension_semantics = [#tpu.dimension_semantics<core_parallel>, #tpu.dimension_semantics<subcore_parallel>], iteration_bounds = array<i64: 2, 16>, scalar_prefetch = 0 : i64, scratch_operands = 7 : i64, tpu.core_type = #tpu.core_type<sc_vector_subcore>, window_params = [{transform_indices = #map}, {transform_indices = #map}, {transform_indices = #map1}, {transform_indices = #map}, {transform_indices = #map2}]} {
    %mul3A = arith.constant 16 : i32
    %mul3A_0 = arith.muli %arg0, %mul3A : i32
    %add3A = arith.addi %mul3A_0, %arg1 : i32
    %run_scoped3A = arith.constant 0 : i32
    "tpu.region"() ({
      %run_scoped3A_74 = tpu.sem_alloc : memref<!tpu.dma_semaphore, #tpu.memory_space<semaphore_mem>>
      %dma_start3A_75 = arith.constant 0 : i32
      %dma_start3A_76 = arith.constant 0 : i32
      %dma_start3A_77 = tpu.memref_slice %arg4[%run_scoped3A, %add3A, %dma_start3A_75, %dma_start3A_76] : memref<2x32x40x250xi32, #tpu.memory_space<hbm>> -> memref<1x1x40x250xi32, #tpu.memory_space<hbm>>
      %dma_start3A_78 = tpu.memref_squeeze %dma_start3A_77 : memref<1x1x40x250xi32, #tpu.memory_space<hbm>> -> memref<40x250xi32, #tpu.memory_space<hbm>>
      %dma_start3A_79 = arith.constant 0 : i32
      %dma_start3A_80 = arith.constant 0 : i32
      %dma_start3A_81 = tpu.memref_slice %arg4[%run_scoped3A, %add3A, %dma_start3A_79, %dma_start3A_80] : memref<2x32x40x250xi32, #tpu.memory_space<hbm>> -> memref<1x1x40x250xi32, #tpu.memory_space<hbm>>
      %dma_start3A_82 = tpu.memref_squeeze %dma_start3A_81 : memref<1x1x40x250xi32, #tpu.memory_space<hbm>> -> memref<40x250xi32, #tpu.memory_space<hbm>>
      tpu.enqueue_dma source(%dma_start3A_82 : memref<40x250xi32, #tpu.memory_space<hbm>>) target(%arg7 : memref<40x250xi32, #tpu.memory_space<vmem>>) target_semaphore(%run_scoped3A_74 : memref<!tpu.dma_semaphore, #tpu.memory_space<semaphore_mem>>)
      %dma_wait3A_83 = arith.constant 0 : i32
      %dma_wait3A_84 = arith.constant 0 : i32
      %dma_wait3A_85 = tpu.memref_slice %arg4[%run_scoped3A, %add3A, %dma_wait3A_83, %dma_wait3A_84] : memref<2x32x40x250xi32, #tpu.memory_space<hbm>> -> memref<1x1x40x250xi32, #tpu.memory_space<hbm>>
      %dma_wait3A_86 = tpu.memref_squeeze %dma_wait3A_85 : memref<1x1x40x250xi32, #tpu.memory_space<hbm>> -> memref<40x250xi32, #tpu.memory_space<hbm>>
      %dma_wait3A_87 = arith.constant 0 : i32
      %dma_wait3A_88 = arith.constant 0 : i32
      %dma_wait3A_89 = tpu.memref_slice %arg4[%run_scoped3A, %add3A, %dma_wait3A_87, %dma_wait3A_88] : memref<2x32x40x250xi32, #tpu.memory_space<hbm>> -> memref<1x1x40x250xi32, #tpu.memory_space<hbm>>
      %dma_wait3A_90 = tpu.memref_squeeze %dma_wait3A_89 : memref<1x1x40x250xi32, #tpu.memory_space<hbm>> -> memref<40x250xi32, #tpu.memory_space<hbm>>
      tpu.wait_dma2 semaphore(%run_scoped3A_74 : memref<!tpu.dma_semaphore, #tpu.memory_space<semaphore_mem>>) src(%dma_wait3A_90 : memref<40x250xi32, #tpu.memory_space<hbm>>) dst(%arg7 : memref<40x250xi32, #tpu.memory_space<vmem>>)
      tpu.yield
    }) : () -> ()
    %run_scoped3A_1 = arith.constant 1 : i32
    "tpu.region"() ({
      %run_scoped3A_74 = tpu.sem_alloc : memref<!tpu.dma_semaphore, #tpu.memory_space<semaphore_mem>>
      %dma_start3A_75 = arith.constant 0 : i32
      %dma_start3A_76 = arith.constant 0 : i32
      %dma_start3A_77 = tpu.memref_slice %arg4[%run_scoped3A_1, %add3A, %dma_start3A_75, %dma_start3A_76] : memref<2x32x40x250xi32, #tpu.memory_space<hbm>> -> memref<1x1x40x250xi32, #tpu.memory_space<hbm>>
      %dma_start3A_78 = tpu.memref_squeeze %dma_start3A_77 : memref<1x1x40x250xi32, #tpu.memory_space<hbm>> -> memref<40x250xi32, #tpu.memory_space<hbm>>
      %dma_start3A_79 = arith.constant 0 : i32
      %dma_start3A_80 = arith.constant 0 : i32
      %dma_start3A_81 = tpu.memref_slice %arg4[%run_scoped3A_1, %add3A, %dma_start3A_79, %dma_start3A_80] : memref<2x32x40x250xi32, #tpu.memory_space<hbm>> -> memref<1x1x40x250xi32, #tpu.memory_space<hbm>>
      %dma_start3A_82 = tpu.memref_squeeze %dma_start3A_81 : memref<1x1x40x250xi32, #tpu.memory_space<hbm>> -> memref<40x250xi32, #tpu.memory_space<hbm>>
      tpu.enqueue_dma source(%dma_start3A_82 : memref<40x250xi32, #tpu.memory_space<hbm>>) target(%arg8 : memref<40x250xi32, #tpu.memory_space<vmem>>) target_semaphore(%run_scoped3A_74 : memref<!tpu.dma_semaphore, #tpu.memory_space<semaphore_mem>>)
      %dma_wait3A_83 = arith.constant 0 : i32
      %dma_wait3A_84 = arith.constant 0 : i32
      %dma_wait3A_85 = tpu.memref_slice %arg4[%run_scoped3A_1, %add3A, %dma_wait3A_83, %dma_wait3A_84] : memref<2x32x40x250xi32, #tpu.memory_space<hbm>> -> memref<1x1x40x250xi32, #tpu.memory_space<hbm>>
      %dma_wait3A_86 = tpu.memref_squeeze %dma_wait3A_85 : memref<1x1x40x250xi32, #tpu.memory_space<hbm>> -> memref<40x250xi32, #tpu.memory_space<hbm>>
      %dma_wait3A_87 = arith.constant 0 : i32
      %dma_wait3A_88 = arith.constant 0 : i32
      %dma_wait3A_89 = tpu.memref_slice %arg4[%run_scoped3A_1, %add3A, %dma_wait3A_87, %dma_wait3A_88] : memref<2x32x40x250xi32, #tpu.memory_space<hbm>> -> memref<1x1x40x250xi32, #tpu.memory_space<hbm>>
      %dma_wait3A_90 = tpu.memref_squeeze %dma_wait3A_89 : memref<1x1x40x250xi32, #tpu.memory_space<hbm>> -> memref<40x250xi32, #tpu.memory_space<hbm>>
      tpu.wait_dma2 semaphore(%run_scoped3A_74 : memref<!tpu.dma_semaphore, #tpu.memory_space<semaphore_mem>>) src(%dma_wait3A_90 : memref<40x250xi32, #tpu.memory_space<hbm>>) dst(%arg8 : memref<40x250xi32, #tpu.memory_space<vmem>>)
      tpu.yield
    }) : () -> ()
    %mul3A_2 = arith.constant 640 : i32
    %mul3A_3 = arith.muli %arg1, %mul3A_2 : i32
    "tpu.region"() ({
      %run_scoped3A_74 = tpu.sem_alloc : memref<!tpu.dma_semaphore, #tpu.memory_space<semaphore_mem>>
      %dma_start3A_75 = arith.constant 0 : i32
      %dma_start3A_76 = tpu.memref_slice %arg11[%mul3A_3, %dma_start3A_75] : memref<10240x64xf32, #tpu.memory_space<vmem_shared>> -> memref<640x64xf32, #tpu.memory_space<vmem_shared>>
      %dma_start3A_77 = arith.constant 0 : i32
      %dma_start3A_78 = tpu.memref_slice %arg5[%mul3A_3, %dma_start3A_77] : memref<10240x64xf32, #tpu.memory_space<hbm>> -> memref<640x64xf32, #tpu.memory_space<hbm>>
      tpu.enqueue_dma source(%dma_start3A_78 : memref<640x64xf32, #tpu.memory_space<hbm>>) target(%dma_start3A_76 : memref<640x64xf32, #tpu.memory_space<vmem_shared>>) target_semaphore(%run_scoped3A_74 : memref<!tpu.dma_semaphore, #tpu.memory_space<semaphore_mem>>)
      %dma_wait3A_79 = arith.constant 0 : i32
      %dma_wait3A_80 = tpu.memref_slice %arg11[%mul3A_3, %dma_wait3A_79] : memref<10240x64xf32, #tpu.memory_space<vmem_shared>> -> memref<640x64xf32, #tpu.memory_space<vmem_shared>>
      %dma_wait3A_81 = arith.constant 0 : i32
      %dma_wait3A_82 = tpu.memref_slice %arg5[%mul3A_3, %dma_wait3A_81] : memref<10240x64xf32, #tpu.memory_space<hbm>> -> memref<640x64xf32, #tpu.memory_space<hbm>>
      tpu.wait_dma2 semaphore(%run_scoped3A_74 : memref<!tpu.dma_semaphore, #tpu.memory_space<semaphore_mem>>) src(%dma_wait3A_82 : memref<640x64xf32, #tpu.memory_space<hbm>>) dst(%dma_wait3A_80 : memref<640x64xf32, #tpu.memory_space<vmem_shared>>)
      tpu.yield
    }) : () -> ()
    %barrier3A = arith.constant 0 : index
    tpu.barrier barrier_id(%barrier3A)
    %dma_start3A = arith.constant 0 : i32
    %dma_start3A_4 = arith.constant 0 : i32
    %dma_start3A_5 = tpu.memref_slice %arg7[%dma_start3A, %dma_start3A_4] : memref<40x250xi32, #tpu.memory_space<vmem>> -> memref<1x250xi32, #tpu.memory_space<vmem>>
    %dma_start3A_6 = tpu.memref_squeeze %dma_start3A_5 : memref<1x250xi32, #tpu.memory_space<vmem>> -> memref<250xi32, #tpu.memory_space<vmem>>
    %dma_start3A_7 = arith.constant 0 : i32
    %dma_start3A_8 = arith.constant 0 : i32
    %dma_start3A_9 = tpu.memref_slice %arg2[%dma_start3A_7, %dma_start3A_8] : memref<10000x64xf32, #tpu.memory_space<hbm>> -> memref<10000x64xf32, #tpu.memory_space<hbm>>
    tpu.enqueue_indirect_dma source(%dma_start3A_9 : memref<10000x64xf32, #tpu.memory_space<hbm>>) target(%arg9 : memref<250x64xf32, #tpu.memory_space<vmem>>) offsets(%dma_start3A_6 : memref<250xi32, #tpu.memory_space<vmem>>) semaphore(%arg12 : memref<!tpu.dma_semaphore, #tpu.memory_space<semaphore_mem>>)
    %scan3A = arith.constant 0 : i32
    %scan3A_10 = arith.constant 19 : i32
    %scan3A_11 = arith.addi %scan3A, %scan3A_10 : i32
    %scan3A_12 = arith.constant 1 : i32
    scf.for %scan3A_74 = %scan3A to %scan3A_11 step %scan3A_12  : i32 {
      %mul3A_75 = arith.constant 2 : i32
      %mul3A_76 = arith.muli %scan3A_74, %mul3A_75 : i32
      %add3A_77 = arith.constant 0 : i32
      %add3A_78 = arith.addi %add3A_77, %mul3A_76 : i32
      %add3A_79 = arith.constant 1 : i32
      %add3A_80 = arith.addi %add3A_78, %add3A_79 : i32
      %dma_start3A_81 = arith.constant 0 : i32
      %dma_start3A_82 = tpu.memref_slice %arg7[%add3A_80, %dma_start3A_81] : memref<40x250xi32, #tpu.memory_space<vmem>> -> memref<1x250xi32, #tpu.memory_space<vmem>>
      %dma_start3A_83 = tpu.memref_squeeze %dma_start3A_82 : memref<1x250xi32, #tpu.memory_space<vmem>> -> memref<250xi32, #tpu.memory_space<vmem>>
      %dma_start3A_84 = arith.constant 0 : i32
      %dma_start3A_85 = arith.constant 0 : i32
      %dma_start3A_86 = tpu.memref_slice %arg2[%dma_start3A_84, %dma_start3A_85] : memref<10000x64xf32, #tpu.memory_space<hbm>> -> memref<10000x64xf32, #tpu.memory_space<hbm>>
      tpu.enqueue_indirect_dma source(%dma_start3A_86 : memref<10000x64xf32, #tpu.memory_space<hbm>>) target(%arg10 : memref<250x64xf32, #tpu.memory_space<vmem>>) offsets(%dma_start3A_83 : memref<250xi32, #tpu.memory_space<vmem>>) semaphore(%arg13 : memref<!tpu.dma_semaphore, #tpu.memory_space<semaphore_mem>>)
      %dma_wait3A_87 = arith.constant 0 : i32
      %dma_wait3A_88 = tpu.memref_slice %arg7[%add3A_78, %dma_wait3A_87] : memref<40x250xi32, #tpu.memory_space<vmem>> -> memref<1x250xi32, #tpu.memory_space<vmem>>
      %dma_wait3A_89 = tpu.memref_squeeze %dma_wait3A_88 : memref<1x250xi32, #tpu.memory_space<vmem>> -> memref<250xi32, #tpu.memory_space<vmem>>
      %dma_wait3A_90 = arith.constant 0 : i32
      %dma_wait3A_91 = arith.constant 0 : i32
      %dma_wait3A_92 = tpu.memref_slice %arg2[%dma_wait3A_90, %dma_wait3A_91] : memref<10000x64xf32, #tpu.memory_space<hbm>> -> memref<10000x64xf32, #tpu.memory_space<hbm>>
      tpu.wait_indirect_dma semaphore(%arg12 : memref<!tpu.dma_semaphore, #tpu.memory_space<semaphore_mem>>) src(%dma_wait3A_92 : memref<10000x64xf32, #tpu.memory_space<hbm>>) dst(%arg9 : memref<250x64xf32, #tpu.memory_space<vmem>>)
      "tpu.region"() ({
        %run_scoped3A_111 = tpu.sem_alloc : memref<!tpu.dma_semaphore, #tpu.memory_space<semaphore_mem>>
        %dma_start3A_112 = arith.constant 0 : i32
        %dma_start3A_113 = tpu.memref_slice %arg8[%add3A_78, %dma_start3A_112] : memref<40x250xi32, #tpu.memory_space<vmem>> -> memref<1x250xi32, #tpu.memory_space<vmem>>
        %dma_start3A_114 = tpu.memref_squeeze %dma_start3A_113 : memref<1x250xi32, #tpu.memory_space<vmem>> -> memref<250xi32, #tpu.memory_space<vmem>>
        %dma_start3A_115 = arith.constant 0 : i32
        %dma_start3A_116 = arith.constant 0 : i32
        %dma_start3A_117 = tpu.memref_slice %arg11[%dma_start3A_115, %dma_start3A_116] : memref<10240x64xf32, #tpu.memory_space<vmem_shared>> -> memref<10240x64xf32, #tpu.memory_space<vmem_shared>>
        tpu.enqueue_indirect_dma source(%arg9 : memref<250x64xf32, #tpu.memory_space<vmem>>) target(%dma_start3A_117 : memref<10240x64xf32, #tpu.memory_space<vmem_shared>>) offsets(%dma_start3A_114 : memref<250xi32, #tpu.memory_space<vmem>>) semaphore(%run_scoped3A_111 : memref<!tpu.dma_semaphore, #tpu.memory_space<semaphore_mem>>) {add = true}
        %dma_wait3A_118 = arith.constant 0 : i32
        %dma_wait3A_119 = tpu.memref_slice %arg8[%add3A_78, %dma_wait3A_118] : memref<40x250xi32, #tpu.memory_space<vmem>> -> memref<1x250xi32, #tpu.memory_space<vmem>>
        %dma_wait3A_120 = tpu.memref_squeeze %dma_wait3A_119 : memref<1x250xi32, #tpu.memory_space<vmem>> -> memref<250xi32, #tpu.memory_space<vmem>>
        %dma_wait3A_121 = arith.constant 0 : i32
        %dma_wait3A_122 = arith.constant 0 : i32
        %dma_wait3A_123 = tpu.memref_slice %arg11[%dma_wait3A_121, %dma_wait3A_122] : memref<10240x64xf32, #tpu.memory_space<vmem_shared>> -> memref<10240x64xf32, #tpu.memory_space<vmem_shared>>
        tpu.wait_indirect_dma semaphore(%run_scoped3A_111 : memref<!tpu.dma_semaphore, #tpu.memory_space<semaphore_mem>>) src(%arg9 : memref<250x64xf32, #tpu.memory_space<vmem>>) dst(%dma_wait3A_123 : memref<10240x64xf32, #tpu.memory_space<vmem_shared>>)
        tpu.yield
      }) : () -> ()
      %add3A_93 = arith.constant 2 : i32
      %add3A_94 = arith.addi %add3A_78, %add3A_93 : i32
      %dma_start3A_95 = arith.constant 0 : i32
      %dma_start3A_96 = tpu.memref_slice %arg7[%add3A_94, %dma_start3A_95] : memref<40x250xi32, #tpu.memory_space<vmem>> -> memref<1x250xi32, #tpu.memory_space<vmem>>
      %dma_start3A_97 = tpu.memref_squeeze %dma_start3A_96 : memref<1x250xi32, #tpu.memory_space<vmem>> -> memref<250xi32, #tpu.memory_space<vmem>>
      %dma_start3A_98 = arith.constant 0 : i32
      %dma_start3A_99 = arith.constant 0 : i32
      %dma_start3A_100 = tpu.memref_slice %arg2[%dma_start3A_98, %dma_start3A_99] : memref<10000x64xf32, #tpu.memory_space<hbm>> -> memref<10000x64xf32, #tpu.memory_space<hbm>>
      tpu.enqueue_indirect_dma source(%dma_start3A_100 : memref<10000x64xf32, #tpu.memory_space<hbm>>) target(%arg9 : memref<250x64xf32, #tpu.memory_space<vmem>>) offsets(%dma_start3A_97 : memref<250xi32, #tpu.memory_space<vmem>>) semaphore(%arg12 : memref<!tpu.dma_semaphore, #tpu.memory_space<semaphore_mem>>)
      %add3A_101 = arith.constant 1 : i32
      %add3A_102 = arith.addi %add3A_78, %add3A_101 : i32
      %dma_wait3A_103 = arith.constant 0 : i32
      %dma_wait3A_104 = tpu.memref_slice %arg7[%add3A_102, %dma_wait3A_103] : memref<40x250xi32, #tpu.memory_space<vmem>> -> memref<1x250xi32, #tpu.memory_space<vmem>>
      %dma_wait3A_105 = tpu.memref_squeeze %dma_wait3A_104 : memref<1x250xi32, #tpu.memory_space<vmem>> -> memref<250xi32, #tpu.memory_space<vmem>>
      %dma_wait3A_106 = arith.constant 0 : i32
      %dma_wait3A_107 = arith.constant 0 : i32
      %dma_wait3A_108 = tpu.memref_slice %arg2[%dma_wait3A_106, %dma_wait3A_107] : memref<10000x64xf32, #tpu.memory_space<hbm>> -> memref<10000x64xf32, #tpu.memory_space<hbm>>
      tpu.wait_indirect_dma semaphore(%arg13 : memref<!tpu.dma_semaphore, #tpu.memory_space<semaphore_mem>>) src(%dma_wait3A_108 : memref<10000x64xf32, #tpu.memory_space<hbm>>) dst(%arg10 : memref<250x64xf32, #tpu.memory_space<vmem>>)
      %add3A_109 = arith.constant 1 : i32
      %add3A_110 = arith.addi %add3A_78, %add3A_109 : i32
      "tpu.region"() ({
        %run_scoped3A_111 = tpu.sem_alloc : memref<!tpu.dma_semaphore, #tpu.memory_space<semaphore_mem>>
        %dma_start3A_112 = arith.constant 0 : i32
        %dma_start3A_113 = tpu.memref_slice %arg8[%add3A_110, %dma_start3A_112] : memref<40x250xi32, #tpu.memory_space<vmem>> -> memref<1x250xi32, #tpu.memory_space<vmem>>
        %dma_start3A_114 = tpu.memref_squeeze %dma_start3A_113 : memref<1x250xi32, #tpu.memory_space<vmem>> -> memref<250xi32, #tpu.memory_space<vmem>>
        %dma_start3A_115 = arith.constant 0 : i32
        %dma_start3A_116 = arith.constant 0 : i32
        %dma_start3A_117 = tpu.memref_slice %arg11[%dma_start3A_115, %dma_start3A_116] : memref<10240x64xf32, #tpu.memory_space<vmem_shared>> -> memref<10240x64xf32, #tpu.memory_space<vmem_shared>>
        tpu.enqueue_indirect_dma source(%arg10 : memref<250x64xf32, #tpu.memory_space<vmem>>) target(%dma_start3A_117 : memref<10240x64xf32, #tpu.memory_space<vmem_shared>>) offsets(%dma_start3A_114 : memref<250xi32, #tpu.memory_space<vmem>>) semaphore(%run_scoped3A_111 : memref<!tpu.dma_semaphore, #tpu.memory_space<semaphore_mem>>) {add = true}
        %dma_wait3A_118 = arith.constant 0 : i32
        %dma_wait3A_119 = tpu.memref_slice %arg8[%add3A_110, %dma_wait3A_118] : memref<40x250xi32, #tpu.memory_space<vmem>> -> memref<1x250xi32, #tpu.memory_space<vmem>>
        %dma_wait3A_120 = tpu.memref_squeeze %dma_wait3A_119 : memref<1x250xi32, #tpu.memory_space<vmem>> -> memref<250xi32, #tpu.memory_space<vmem>>
        %dma_wait3A_121 = arith.constant 0 : i32
        %dma_wait3A_122 = arith.constant 0 : i32
        %dma_wait3A_123 = tpu.memref_slice %arg11[%dma_wait3A_121, %dma_wait3A_122] : memref<10240x64xf32, #tpu.memory_space<vmem_shared>> -> memref<10240x64xf32, #tpu.memory_space<vmem_shared>>
        tpu.wait_indirect_dma semaphore(%run_scoped3A_111 : memref<!tpu.dma_semaphore, #tpu.memory_space<semaphore_mem>>) src(%arg10 : memref<250x64xf32, #tpu.memory_space<vmem>>) dst(%dma_wait3A_123 : memref<10240x64xf32, #tpu.memory_space<vmem_shared>>)
        tpu.yield
      }) : () -> ()
    }
    %scan3A_13 = arith.constant 19 : i32
    %dma_start3A_14 = arith.constant 39 : i32
    %dma_start3A_15 = arith.constant 0 : i32
    %dma_start3A_16 = tpu.memref_slice %arg7[%dma_start3A_14, %dma_start3A_15] : memref<40x250xi32, #tpu.memory_space<vmem>> -> memref<1x250xi32, #tpu.memory_space<vmem>>
    %dma_start3A_17 = tpu.memref_squeeze %dma_start3A_16 : memref<1x250xi32, #tpu.memory_space<vmem>> -> memref<250xi32, #tpu.memory_space<vmem>>
    %dma_start3A_18 = arith.constant 0 : i32
    %dma_start3A_19 = arith.constant 0 : i32
    %dma_start3A_20 = tpu.memref_slice %arg2[%dma_start3A_18, %dma_start3A_19] : memref<10000x64xf32, #tpu.memory_space<hbm>> -> memref<10000x64xf32, #tpu.memory_space<hbm>>
    tpu.enqueue_indirect_dma source(%dma_start3A_20 : memref<10000x64xf32, #tpu.memory_space<hbm>>) target(%arg10 : memref<250x64xf32, #tpu.memory_space<vmem>>) offsets(%dma_start3A_17 : memref<250xi32, #tpu.memory_space<vmem>>) semaphore(%arg13 : memref<!tpu.dma_semaphore, #tpu.memory_space<semaphore_mem>>)
    %dma_wait3A = arith.constant 38 : i32
    %dma_wait3A_21 = arith.constant 0 : i32
    %dma_wait3A_22 = tpu.memref_slice %arg7[%dma_wait3A, %dma_wait3A_21] : memref<40x250xi32, #tpu.memory_space<vmem>> -> memref<1x250xi32, #tpu.memory_space<vmem>>
    %dma_wait3A_23 = tpu.memref_squeeze %dma_wait3A_22 : memref<1x250xi32, #tpu.memory_space<vmem>> -> memref<250xi32, #tpu.memory_space<vmem>>
    %dma_wait3A_24 = arith.constant 0 : i32
    %dma_wait3A_25 = arith.constant 0 : i32
    %dma_wait3A_26 = tpu.memref_slice %arg2[%dma_wait3A_24, %dma_wait3A_25] : memref<10000x64xf32, #tpu.memory_space<hbm>> -> memref<10000x64xf32, #tpu.memory_space<hbm>>
    tpu.wait_indirect_dma semaphore(%arg12 : memref<!tpu.dma_semaphore, #tpu.memory_space<semaphore_mem>>) src(%dma_wait3A_26 : memref<10000x64xf32, #tpu.memory_space<hbm>>) dst(%arg9 : memref<250x64xf32, #tpu.memory_space<vmem>>)
    %run_scoped3A_27 = arith.constant 38 : i32
    "tpu.region"() ({
      %run_scoped3A_74 = tpu.sem_alloc : memref<!tpu.dma_semaphore, #tpu.memory_space<semaphore_mem>>
      %dma_start3A_75 = arith.constant 0 : i32
      %dma_start3A_76 = tpu.memref_slice %arg8[%run_scoped3A_27, %dma_start3A_75] : memref<40x250xi32, #tpu.memory_space<vmem>> -> memref<1x250xi32, #tpu.memory_space<vmem>>
      %dma_start3A_77 = tpu.memref_squeeze %dma_start3A_76 : memref<1x250xi32, #tpu.memory_space<vmem>> -> memref<250xi32, #tpu.memory_space<vmem>>
      %dma_start3A_78 = arith.constant 0 : i32
      %dma_start3A_79 = arith.constant 0 : i32
      %dma_start3A_80 = tpu.memref_slice %arg11[%dma_start3A_78, %dma_start3A_79] : memref<10240x64xf32, #tpu.memory_space<vmem_shared>> -> memref<10240x64xf32, #tpu.memory_space<vmem_shared>>
      tpu.enqueue_indirect_dma source(%arg9 : memref<250x64xf32, #tpu.memory_space<vmem>>) target(%dma_start3A_80 : memref<10240x64xf32, #tpu.memory_space<vmem_shared>>) offsets(%dma_start3A_77 : memref<250xi32, #tpu.memory_space<vmem>>) semaphore(%run_scoped3A_74 : memref<!tpu.dma_semaphore, #tpu.memory_space<semaphore_mem>>) {add = true}
      %dma_wait3A_81 = arith.constant 0 : i32
      %dma_wait3A_82 = tpu.memref_slice %arg8[%run_scoped3A_27, %dma_wait3A_81] : memref<40x250xi32, #tpu.memory_space<vmem>> -> memref<1x250xi32, #tpu.memory_space<vmem>>
      %dma_wait3A_83 = tpu.memref_squeeze %dma_wait3A_82 : memref<1x250xi32, #tpu.memory_space<vmem>> -> memref<250xi32, #tpu.memory_space<vmem>>
      %dma_wait3A_84 = arith.constant 0 : i32
      %dma_wait3A_85 = arith.constant 0 : i32
      %dma_wait3A_86 = tpu.memref_slice %arg11[%dma_wait3A_84, %dma_wait3A_85] : memref<10240x64xf32, #tpu.memory_space<vmem_shared>> -> memref<10240x64xf32, #tpu.memory_space<vmem_shared>>
      tpu.wait_indirect_dma semaphore(%run_scoped3A_74 : memref<!tpu.dma_semaphore, #tpu.memory_space<semaphore_mem>>) src(%arg9 : memref<250x64xf32, #tpu.memory_space<vmem>>) dst(%dma_wait3A_86 : memref<10240x64xf32, #tpu.memory_space<vmem_shared>>)
      tpu.yield
    }) : () -> ()
    %dma_wait3A_28 = arith.constant 39 : i32
    %dma_wait3A_29 = arith.constant 0 : i32
    %dma_wait3A_30 = tpu.memref_slice %arg7[%dma_wait3A_28, %dma_wait3A_29] : memref<40x250xi32, #tpu.memory_space<vmem>> -> memref<1x250xi32, #tpu.memory_space<vmem>>
    %dma_wait3A_31 = tpu.memref_squeeze %dma_wait3A_30 : memref<1x250xi32, #tpu.memory_space<vmem>> -> memref<250xi32, #tpu.memory_space<vmem>>
    %dma_wait3A_32 = arith.constant 0 : i32
    %dma_wait3A_33 = arith.constant 0 : i32
    %dma_wait3A_34 = tpu.memref_slice %arg2[%dma_wait3A_32, %dma_wait3A_33] : memref<10000x64xf32, #tpu.memory_space<hbm>> -> memref<10000x64xf32, #tpu.memory_space<hbm>>
    tpu.wait_indirect_dma semaphore(%arg13 : memref<!tpu.dma_semaphore, #tpu.memory_space<semaphore_mem>>) src(%dma_wait3A_34 : memref<10000x64xf32, #tpu.memory_space<hbm>>) dst(%arg10 : memref<250x64xf32, #tpu.memory_space<vmem>>)
    %run_scoped3A_35 = arith.constant 39 : i32
    "tpu.region"() ({
      %run_scoped3A_74 = tpu.sem_alloc : memref<!tpu.dma_semaphore, #tpu.memory_space<semaphore_mem>>
      %dma_start3A_75 = arith.constant 0 : i32
      %dma_start3A_76 = tpu.memref_slice %arg8[%run_scoped3A_35, %dma_start3A_75] : memref<40x250xi32, #tpu.memory_space<vmem>> -> memref<1x250xi32, #tpu.memory_space<vmem>>
      %dma_start3A_77 = tpu.memref_squeeze %dma_start3A_76 : memref<1x250xi32, #tpu.memory_space<vmem>> -> memref<250xi32, #tpu.memory_space<vmem>>
      %dma_start3A_78 = arith.constant 0 : i32
      %dma_start3A_79 = arith.constant 0 : i32
      %dma_start3A_80 = tpu.memref_slice %arg11[%dma_start3A_78, %dma_start3A_79] : memref<10240x64xf32, #tpu.memory_space<vmem_shared>> -> memref<10240x64xf32, #tpu.memory_space<vmem_shared>>
      tpu.enqueue_indirect_dma source(%arg10 : memref<250x64xf32, #tpu.memory_space<vmem>>) target(%dma_start3A_80 : memref<10240x64xf32, #tpu.memory_space<vmem_shared>>) offsets(%dma_start3A_77 : memref<250xi32, #tpu.memory_space<vmem>>) semaphore(%run_scoped3A_74 : memref<!tpu.dma_semaphore, #tpu.memory_space<semaphore_mem>>) {add = true}
      %dma_wait3A_81 = arith.constant 0 : i32
      %dma_wait3A_82 = tpu.memref_slice %arg8[%run_scoped3A_35, %dma_wait3A_81] : memref<40x250xi32, #tpu.memory_space<vmem>> -> memref<1x250xi32, #tpu.memory_space<vmem>>
      %dma_wait3A_83 = tpu.memref_squeeze %dma_wait3A_82 : memref<1x250xi32, #tpu.memory_space<vmem>> -> memref<250xi32, #tpu.memory_space<vmem>>
      %dma_wait3A_84 = arith.constant 0 : i32
      %dma_wait3A_85 = arith.constant 0 : i32
      %dma_wait3A_86 = tpu.memref_slice %arg11[%dma_wait3A_84, %dma_wait3A_85] : memref<10240x64xf32, #tpu.memory_space<vmem_shared>> -> memref<10240x64xf32, #tpu.memory_space<vmem_shared>>
      tpu.wait_indirect_dma semaphore(%run_scoped3A_74 : memref<!tpu.dma_semaphore, #tpu.memory_space<semaphore_mem>>) src(%arg10 : memref<250x64xf32, #tpu.memory_space<vmem>>) dst(%dma_wait3A_86 : memref<10240x64xf32, #tpu.memory_space<vmem_shared>>)
      tpu.yield
    }) : () -> ()
    %barrier3A_36 = arith.constant 0 : index
    tpu.barrier barrier_id(%barrier3A_36)
    "tpu.region"() ({
      %run_scoped3A_74 = tpu.sem_alloc : memref<!tpu.dma_semaphore, #tpu.memory_space<semaphore_mem>>
      %dma_start3A_75 = arith.constant 0 : i32
      %dma_start3A_76 = tpu.memref_slice %arg6[%arg0, %mul3A_3, %dma_start3A_75] : memref<2x10240x128xf32, #tpu.memory_space<hbm>> -> memref<1x640x64xf32, #tpu.memory_space<hbm>>
      %dma_start3A_77 = tpu.memref_squeeze %dma_start3A_76 : memref<1x640x64xf32, #tpu.memory_space<hbm>> -> memref<640x64xf32, #tpu.memory_space<hbm>>
      %dma_start3A_78 = arith.constant 0 : i32
      %dma_start3A_79 = tpu.memref_slice %arg11[%mul3A_3, %dma_start3A_78] : memref<10240x64xf32, #tpu.memory_space<vmem_shared>> -> memref<640x64xf32, #tpu.memory_space<vmem_shared>>
      tpu.enqueue_dma source(%dma_start3A_79 : memref<640x64xf32, #tpu.memory_space<vmem_shared>>) target(%dma_start3A_77 : memref<640x64xf32, #tpu.memory_space<hbm>>) target_semaphore(%run_scoped3A_74 : memref<!tpu.dma_semaphore, #tpu.memory_space<semaphore_mem>>)
      %dma_wait3A_80 = arith.constant 0 : i32
      %dma_wait3A_81 = tpu.memref_slice %arg6[%arg0, %mul3A_3, %dma_wait3A_80] : memref<2x10240x128xf32, #tpu.memory_space<hbm>> -> memref<1x640x64xf32, #tpu.memory_space<hbm>>
      %dma_wait3A_82 = tpu.memref_squeeze %dma_wait3A_81 : memref<1x640x64xf32, #tpu.memory_space<hbm>> -> memref<640x64xf32, #tpu.memory_space<hbm>>
      %dma_wait3A_83 = arith.constant 0 : i32
      %dma_wait3A_84 = tpu.memref_slice %arg11[%mul3A_3, %dma_wait3A_83] : memref<10240x64xf32, #tpu.memory_space<vmem_shared>> -> memref<640x64xf32, #tpu.memory_space<vmem_shared>>
      tpu.wait_dma2 semaphore(%run_scoped3A_74 : memref<!tpu.dma_semaphore, #tpu.memory_space<semaphore_mem>>) src(%dma_wait3A_84 : memref<640x64xf32, #tpu.memory_space<vmem_shared>>) dst(%dma_wait3A_82 : memref<640x64xf32, #tpu.memory_space<hbm>>)
      tpu.yield
    }) : () -> ()
    "tpu.region"() ({
      %run_scoped3A_74 = tpu.sem_alloc : memref<!tpu.dma_semaphore, #tpu.memory_space<semaphore_mem>>
      %dma_start3A_75 = arith.constant 0 : i32
      %dma_start3A_76 = tpu.memref_slice %arg11[%mul3A_3, %dma_start3A_75] : memref<10240x64xf32, #tpu.memory_space<vmem_shared>> -> memref<640x64xf32, #tpu.memory_space<vmem_shared>>
      %dma_start3A_77 = arith.constant 0 : i32
      %dma_start3A_78 = tpu.memref_slice %arg5[%mul3A_3, %dma_start3A_77] : memref<10240x64xf32, #tpu.memory_space<hbm>> -> memref<640x64xf32, #tpu.memory_space<hbm>>
      tpu.enqueue_dma source(%dma_start3A_78 : memref<640x64xf32, #tpu.memory_space<hbm>>) target(%dma_start3A_76 : memref<640x64xf32, #tpu.memory_space<vmem_shared>>) target_semaphore(%run_scoped3A_74 : memref<!tpu.dma_semaphore, #tpu.memory_space<semaphore_mem>>)
      %dma_wait3A_79 = arith.constant 0 : i32
      %dma_wait3A_80 = tpu.memref_slice %arg11[%mul3A_3, %dma_wait3A_79] : memref<10240x64xf32, #tpu.memory_space<vmem_shared>> -> memref<640x64xf32, #tpu.memory_space<vmem_shared>>
      %dma_wait3A_81 = arith.constant 0 : i32
      %dma_wait3A_82 = tpu.memref_slice %arg5[%mul3A_3, %dma_wait3A_81] : memref<10240x64xf32, #tpu.memory_space<hbm>> -> memref<640x64xf32, #tpu.memory_space<hbm>>
      tpu.wait_dma2 semaphore(%run_scoped3A_74 : memref<!tpu.dma_semaphore, #tpu.memory_space<semaphore_mem>>) src(%dma_wait3A_82 : memref<640x64xf32, #tpu.memory_space<hbm>>) dst(%dma_wait3A_80 : memref<640x64xf32, #tpu.memory_space<vmem_shared>>)
      tpu.yield
    }) : () -> ()
    %barrier3A_37 = arith.constant 0 : index
    tpu.barrier barrier_id(%barrier3A_37)
    %dma_start3A_38 = arith.constant 0 : i32
    %dma_start3A_39 = arith.constant 0 : i32
    %dma_start3A_40 = tpu.memref_slice %arg7[%dma_start3A_38, %dma_start3A_39] : memref<40x250xi32, #tpu.memory_space<vmem>> -> memref<1x250xi32, #tpu.memory_space<vmem>>
    %dma_start3A_41 = tpu.memref_squeeze %dma_start3A_40 : memref<1x250xi32, #tpu.memory_space<vmem>> -> memref<250xi32, #tpu.memory_space<vmem>>
    %dma_start3A_42 = arith.constant 0 : i32
    %dma_start3A_43 = arith.constant 0 : i32
    %dma_start3A_44 = tpu.memref_slice %arg3[%dma_start3A_42, %dma_start3A_43] : memref<10000x64xf32, #tpu.memory_space<hbm>> -> memref<10000x64xf32, #tpu.memory_space<hbm>>
    tpu.enqueue_indirect_dma source(%dma_start3A_44 : memref<10000x64xf32, #tpu.memory_space<hbm>>) target(%arg9 : memref<250x64xf32, #tpu.memory_space<vmem>>) offsets(%dma_start3A_41 : memref<250xi32, #tpu.memory_space<vmem>>) semaphore(%arg12 : memref<!tpu.dma_semaphore, #tpu.memory_space<semaphore_mem>>)
    %scan3A_45 = arith.constant 0 : i32
    %scan3A_46 = arith.constant 19 : i32
    %scan3A_47 = arith.addi %scan3A_45, %scan3A_46 : i32
    %scan3A_48 = arith.constant 1 : i32
    scf.for %scan3A_74 = %scan3A_45 to %scan3A_47 step %scan3A_48  : i32 {
      %mul3A_75 = arith.constant 2 : i32
      %mul3A_76 = arith.muli %scan3A_74, %mul3A_75 : i32
      %add3A_77 = arith.constant 0 : i32
      %add3A_78 = arith.addi %add3A_77, %mul3A_76 : i32
      %add3A_79 = arith.constant 1 : i32
      %add3A_80 = arith.addi %add3A_78, %add3A_79 : i32
      %dma_start3A_81 = arith.constant 0 : i32
      %dma_start3A_82 = tpu.memref_slice %arg7[%add3A_80, %dma_start3A_81] : memref<40x250xi32, #tpu.memory_space<vmem>> -> memref<1x250xi32, #tpu.memory_space<vmem>>
      %dma_start3A_83 = tpu.memref_squeeze %dma_start3A_82 : memref<1x250xi32, #tpu.memory_space<vmem>> -> memref<250xi32, #tpu.memory_space<vmem>>
      %dma_start3A_84 = arith.constant 0 : i32
      %dma_start3A_85 = arith.constant 0 : i32
      %dma_start3A_86 = tpu.memref_slice %arg3[%dma_start3A_84, %dma_start3A_85] : memref<10000x64xf32, #tpu.memory_space<hbm>> -> memref<10000x64xf32, #tpu.memory_space<hbm>>
      tpu.enqueue_indirect_dma source(%dma_start3A_86 : memref<10000x64xf32, #tpu.memory_space<hbm>>) target(%arg10 : memref<250x64xf32, #tpu.memory_space<vmem>>) offsets(%dma_start3A_83 : memref<250xi32, #tpu.memory_space<vmem>>) semaphore(%arg13 : memref<!tpu.dma_semaphore, #tpu.memory_space<semaphore_mem>>)
      %dma_wait3A_87 = arith.constant 0 : i32
      %dma_wait3A_88 = tpu.memref_slice %arg7[%add3A_78, %dma_wait3A_87] : memref<40x250xi32, #tpu.memory_space<vmem>> -> memref<1x250xi32, #tpu.memory_space<vmem>>
      %dma_wait3A_89 = tpu.memref_squeeze %dma_wait3A_88 : memref<1x250xi32, #tpu.memory_space<vmem>> -> memref<250xi32, #tpu.memory_space<vmem>>
      %dma_wait3A_90 = arith.constant 0 : i32
      %dma_wait3A_91 = arith.constant 0 : i32
      %dma_wait3A_92 = tpu.memref_slice %arg3[%dma_wait3A_90, %dma_wait3A_91] : memref<10000x64xf32, #tpu.memory_space<hbm>> -> memref<10000x64xf32, #tpu.memory_space<hbm>>
      tpu.wait_indirect_dma semaphore(%arg12 : memref<!tpu.dma_semaphore, #tpu.memory_space<semaphore_mem>>) src(%dma_wait3A_92 : memref<10000x64xf32, #tpu.memory_space<hbm>>) dst(%arg9 : memref<250x64xf32, #tpu.memory_space<vmem>>)
      "tpu.region"() ({
        %run_scoped3A_111 = tpu.sem_alloc : memref<!tpu.dma_semaphore, #tpu.memory_space<semaphore_mem>>
        %dma_start3A_112 = arith.constant 0 : i32
        %dma_start3A_113 = tpu.memref_slice %arg8[%add3A_78, %dma_start3A_112] : memref<40x250xi32, #tpu.memory_space<vmem>> -> memref<1x250xi32, #tpu.memory_space<vmem>>
        %dma_start3A_114 = tpu.memref_squeeze %dma_start3A_113 : memref<1x250xi32, #tpu.memory_space<vmem>> -> memref<250xi32, #tpu.memory_space<vmem>>
        %dma_start3A_115 = arith.constant 0 : i32
        %dma_start3A_116 = arith.constant 0 : i32
        %dma_start3A_117 = tpu.memref_slice %arg11[%dma_start3A_115, %dma_start3A_116] : memref<10240x64xf32, #tpu.memory_space<vmem_shared>> -> memref<10240x64xf32, #tpu.memory_space<vmem_shared>>
        tpu.enqueue_indirect_dma source(%arg9 : memref<250x64xf32, #tpu.memory_space<vmem>>) target(%dma_start3A_117 : memref<10240x64xf32, #tpu.memory_space<vmem_shared>>) offsets(%dma_start3A_114 : memref<250xi32, #tpu.memory_space<vmem>>) semaphore(%run_scoped3A_111 : memref<!tpu.dma_semaphore, #tpu.memory_space<semaphore_mem>>) {add = true}
        %dma_wait3A_118 = arith.constant 0 : i32
        %dma_wait3A_119 = tpu.memref_slice %arg8[%add3A_78, %dma_wait3A_118] : memref<40x250xi32, #tpu.memory_space<vmem>> -> memref<1x250xi32, #tpu.memory_space<vmem>>
        %dma_wait3A_120 = tpu.memref_squeeze %dma_wait3A_119 : memref<1x250xi32, #tpu.memory_space<vmem>> -> memref<250xi32, #tpu.memory_space<vmem>>
        %dma_wait3A_121 = arith.constant 0 : i32
        %dma_wait3A_122 = arith.constant 0 : i32
        %dma_wait3A_123 = tpu.memref_slice %arg11[%dma_wait3A_121, %dma_wait3A_122] : memref<10240x64xf32, #tpu.memory_space<vmem_shared>> -> memref<10240x64xf32, #tpu.memory_space<vmem_shared>>
        tpu.wait_indirect_dma semaphore(%run_scoped3A_111 : memref<!tpu.dma_semaphore, #tpu.memory_space<semaphore_mem>>) src(%arg9 : memref<250x64xf32, #tpu.memory_space<vmem>>) dst(%dma_wait3A_123 : memref<10240x64xf32, #tpu.memory_space<vmem_shared>>)
        tpu.yield
      }) : () -> ()
      %add3A_93 = arith.constant 2 : i32
      %add3A_94 = arith.addi %add3A_78, %add3A_93 : i32
      %dma_start3A_95 = arith.constant 0 : i32
      %dma_start3A_96 = tpu.memref_slice %arg7[%add3A_94, %dma_start3A_95] : memref<40x250xi32, #tpu.memory_space<vmem>> -> memref<1x250xi32, #tpu.memory_space<vmem>>
      %dma_start3A_97 = tpu.memref_squeeze %dma_start3A_96 : memref<1x250xi32, #tpu.memory_space<vmem>> -> memref<250xi32, #tpu.memory_space<vmem>>
      %dma_start3A_98 = arith.constant 0 : i32
      %dma_start3A_99 = arith.constant 0 : i32
      %dma_start3A_100 = tpu.memref_slice %arg3[%dma_start3A_98, %dma_start3A_99] : memref<10000x64xf32, #tpu.memory_space<hbm>> -> memref<10000x64xf32, #tpu.memory_space<hbm>>
      tpu.enqueue_indirect_dma source(%dma_start3A_100 : memref<10000x64xf32, #tpu.memory_space<hbm>>) target(%arg9 : memref<250x64xf32, #tpu.memory_space<vmem>>) offsets(%dma_start3A_97 : memref<250xi32, #tpu.memory_space<vmem>>) semaphore(%arg12 : memref<!tpu.dma_semaphore, #tpu.memory_space<semaphore_mem>>)
      %add3A_101 = arith.constant 1 : i32
      %add3A_102 = arith.addi %add3A_78, %add3A_101 : i32
      %dma_wait3A_103 = arith.constant 0 : i32
      %dma_wait3A_104 = tpu.memref_slice %arg7[%add3A_102, %dma_wait3A_103] : memref<40x250xi32, #tpu.memory_space<vmem>> -> memref<1x250xi32, #tpu.memory_space<vmem>>
      %dma_wait3A_105 = tpu.memref_squeeze %dma_wait3A_104 : memref<1x250xi32, #tpu.memory_space<vmem>> -> memref<250xi32, #tpu.memory_space<vmem>>
      %dma_wait3A_106 = arith.constant 0 : i32
      %dma_wait3A_107 = arith.constant 0 : i32
      %dma_wait3A_108 = tpu.memref_slice %arg3[%dma_wait3A_106, %dma_wait3A_107] : memref<10000x64xf32, #tpu.memory_space<hbm>> -> memref<10000x64xf32, #tpu.memory_space<hbm>>
      tpu.wait_indirect_dma semaphore(%arg13 : memref<!tpu.dma_semaphore, #tpu.memory_space<semaphore_mem>>) src(%dma_wait3A_108 : memref<10000x64xf32, #tpu.memory_space<hbm>>) dst(%arg10 : memref<250x64xf32, #tpu.memory_space<vmem>>)
      %add3A_109 = arith.constant 1 : i32
      %add3A_110 = arith.addi %add3A_78, %add3A_109 : i32
      "tpu.region"() ({
        %run_scoped3A_111 = tpu.sem_alloc : memref<!tpu.dma_semaphore, #tpu.memory_space<semaphore_mem>>
        %dma_start3A_112 = arith.constant 0 : i32
        %dma_start3A_113 = tpu.memref_slice %arg8[%add3A_110, %dma_start3A_112] : memref<40x250xi32, #tpu.memory_space<vmem>> -> memref<1x250xi32, #tpu.memory_space<vmem>>
        %dma_start3A_114 = tpu.memref_squeeze %dma_start3A_113 : memref<1x250xi32, #tpu.memory_space<vmem>> -> memref<250xi32, #tpu.memory_space<vmem>>
        %dma_start3A_115 = arith.constant 0 : i32
        %dma_start3A_116 = arith.constant 0 : i32
        %dma_start3A_117 = tpu.memref_slice %arg11[%dma_start3A_115, %dma_start3A_116] : memref<10240x64xf32, #tpu.memory_space<vmem_shared>> -> memref<10240x64xf32, #tpu.memory_space<vmem_shared>>
        tpu.enqueue_indirect_dma source(%arg10 : memref<250x64xf32, #tpu.memory_space<vmem>>) target(%dma_start3A_117 : memref<10240x64xf32, #tpu.memory_space<vmem_shared>>) offsets(%dma_start3A_114 : memref<250xi32, #tpu.memory_space<vmem>>) semaphore(%run_scoped3A_111 : memref<!tpu.dma_semaphore, #tpu.memory_space<semaphore_mem>>) {add = true}
        %dma_wait3A_118 = arith.constant 0 : i32
        %dma_wait3A_119 = tpu.memref_slice %arg8[%add3A_110, %dma_wait3A_118] : memref<40x250xi32, #tpu.memory_space<vmem>> -> memref<1x250xi32, #tpu.memory_space<vmem>>
        %dma_wait3A_120 = tpu.memref_squeeze %dma_wait3A_119 : memref<1x250xi32, #tpu.memory_space<vmem>> -> memref<250xi32, #tpu.memory_space<vmem>>
        %dma_wait3A_121 = arith.constant 0 : i32
        %dma_wait3A_122 = arith.constant 0 : i32
        %dma_wait3A_123 = tpu.memref_slice %arg11[%dma_wait3A_121, %dma_wait3A_122] : memref<10240x64xf32, #tpu.memory_space<vmem_shared>> -> memref<10240x64xf32, #tpu.memory_space<vmem_shared>>
        tpu.wait_indirect_dma semaphore(%run_scoped3A_111 : memref<!tpu.dma_semaphore, #tpu.memory_space<semaphore_mem>>) src(%arg10 : memref<250x64xf32, #tpu.memory_space<vmem>>) dst(%dma_wait3A_123 : memref<10240x64xf32, #tpu.memory_space<vmem_shared>>)
        tpu.yield
      }) : () -> ()
    }
    %scan3A_49 = arith.constant 19 : i32
    %dma_start3A_50 = arith.constant 39 : i32
    %dma_start3A_51 = arith.constant 0 : i32
    %dma_start3A_52 = tpu.memref_slice %arg7[%dma_start3A_50, %dma_start3A_51] : memref<40x250xi32, #tpu.memory_space<vmem>> -> memref<1x250xi32, #tpu.memory_space<vmem>>
    %dma_start3A_53 = tpu.memref_squeeze %dma_start3A_52 : memref<1x250xi32, #tpu.memory_space<vmem>> -> memref<250xi32, #tpu.memory_space<vmem>>
    %dma_start3A_54 = arith.constant 0 : i32
    %dma_start3A_55 = arith.constant 0 : i32
    %dma_start3A_56 = tpu.memref_slice %arg3[%dma_start3A_54, %dma_start3A_55] : memref<10000x64xf32, #tpu.memory_space<hbm>> -> memref<10000x64xf32, #tpu.memory_space<hbm>>
    tpu.enqueue_indirect_dma source(%dma_start3A_56 : memref<10000x64xf32, #tpu.memory_space<hbm>>) target(%arg10 : memref<250x64xf32, #tpu.memory_space<vmem>>) offsets(%dma_start3A_53 : memref<250xi32, #tpu.memory_space<vmem>>) semaphore(%arg13 : memref<!tpu.dma_semaphore, #tpu.memory_space<semaphore_mem>>)
    %dma_wait3A_57 = arith.constant 38 : i32
    %dma_wait3A_58 = arith.constant 0 : i32
    %dma_wait3A_59 = tpu.memref_slice %arg7[%dma_wait3A_57, %dma_wait3A_58] : memref<40x250xi32, #tpu.memory_space<vmem>> -> memref<1x250xi32, #tpu.memory_space<vmem>>
    %dma_wait3A_60 = tpu.memref_squeeze %dma_wait3A_59 : memref<1x250xi32, #tpu.memory_space<vmem>> -> memref<250xi32, #tpu.memory_space<vmem>>
    %dma_wait3A_61 = arith.constant 0 : i32
    %dma_wait3A_62 = arith.constant 0 : i32
    %dma_wait3A_63 = tpu.memref_slice %arg3[%dma_wait3A_61, %dma_wait3A_62] : memref<10000x64xf32, #tpu.memory_space<hbm>> -> memref<10000x64xf32, #tpu.memory_space<hbm>>
    tpu.wait_indirect_dma semaphore(%arg12 : memref<!tpu.dma_semaphore, #tpu.memory_space<semaphore_mem>>) src(%dma_wait3A_63 : memref<10000x64xf32, #tpu.memory_space<hbm>>) dst(%arg9 : memref<250x64xf32, #tpu.memory_space<vmem>>)
    %run_scoped3A_64 = arith.constant 38 : i32
    "tpu.region"() ({
      %run_scoped3A_74 = tpu.sem_alloc : memref<!tpu.dma_semaphore, #tpu.memory_space<semaphore_mem>>
      %dma_start3A_75 = arith.constant 0 : i32
      %dma_start3A_76 = tpu.memref_slice %arg8[%run_scoped3A_64, %dma_start3A_75] : memref<40x250xi32, #tpu.memory_space<vmem>> -> memref<1x250xi32, #tpu.memory_space<vmem>>
      %dma_start3A_77 = tpu.memref_squeeze %dma_start3A_76 : memref<1x250xi32, #tpu.memory_space<vmem>> -> memref<250xi32, #tpu.memory_space<vmem>>
      %dma_start3A_78 = arith.constant 0 : i32
      %dma_start3A_79 = arith.constant 0 : i32
      %dma_start3A_80 = tpu.memref_slice %arg11[%dma_start3A_78, %dma_start3A_79] : memref<10240x64xf32, #tpu.memory_space<vmem_shared>> -> memref<10240x64xf32, #tpu.memory_space<vmem_shared>>
      tpu.enqueue_indirect_dma source(%arg9 : memref<250x64xf32, #tpu.memory_space<vmem>>) target(%dma_start3A_80 : memref<10240x64xf32, #tpu.memory_space<vmem_shared>>) offsets(%dma_start3A_77 : memref<250xi32, #tpu.memory_space<vmem>>) semaphore(%run_scoped3A_74 : memref<!tpu.dma_semaphore, #tpu.memory_space<semaphore_mem>>) {add = true}
      %dma_wait3A_81 = arith.constant 0 : i32
      %dma_wait3A_82 = tpu.memref_slice %arg8[%run_scoped3A_64, %dma_wait3A_81] : memref<40x250xi32, #tpu.memory_space<vmem>> -> memref<1x250xi32, #tpu.memory_space<vmem>>
      %dma_wait3A_83 = tpu.memref_squeeze %dma_wait3A_82 : memref<1x250xi32, #tpu.memory_space<vmem>> -> memref<250xi32, #tpu.memory_space<vmem>>
      %dma_wait3A_84 = arith.constant 0 : i32
      %dma_wait3A_85 = arith.constant 0 : i32
      %dma_wait3A_86 = tpu.memref_slice %arg11[%dma_wait3A_84, %dma_wait3A_85] : memref<10240x64xf32, #tpu.memory_space<vmem_shared>> -> memref<10240x64xf32, #tpu.memory_space<vmem_shared>>
      tpu.wait_indirect_dma semaphore(%run_scoped3A_74 : memref<!tpu.dma_semaphore, #tpu.memory_space<semaphore_mem>>) src(%arg9 : memref<250x64xf32, #tpu.memory_space<vmem>>) dst(%dma_wait3A_86 : memref<10240x64xf32, #tpu.memory_space<vmem_shared>>)
      tpu.yield
    }) : () -> ()
    %dma_wait3A_65 = arith.constant 39 : i32
    %dma_wait3A_66 = arith.constant 0 : i32
    %dma_wait3A_67 = tpu.memref_slice %arg7[%dma_wait3A_65, %dma_wait3A_66] : memref<40x250xi32, #tpu.memory_space<vmem>> -> memref<1x250xi32, #tpu.memory_space<vmem>>
    %dma_wait3A_68 = tpu.memref_squeeze %dma_wait3A_67 : memref<1x250xi32, #tpu.memory_space<vmem>> -> memref<250xi32, #tpu.memory_space<vmem>>
    %dma_wait3A_69 = arith.constant 0 : i32
    %dma_wait3A_70 = arith.constant 0 : i32
    %dma_wait3A_71 = tpu.memref_slice %arg3[%dma_wait3A_69, %dma_wait3A_70] : memref<10000x64xf32, #tpu.memory_space<hbm>> -> memref<10000x64xf32, #tpu.memory_space<hbm>>
    tpu.wait_indirect_dma semaphore(%arg13 : memref<!tpu.dma_semaphore, #tpu.memory_space<semaphore_mem>>) src(%dma_wait3A_71 : memref<10000x64xf32, #tpu.memory_space<hbm>>) dst(%arg10 : memref<250x64xf32, #tpu.memory_space<vmem>>)
    %run_scoped3A_72 = arith.constant 39 : i32
    "tpu.region"() ({
      %run_scoped3A_74 = tpu.sem_alloc : memref<!tpu.dma_semaphore, #tpu.memory_space<semaphore_mem>>
      %dma_start3A_75 = arith.constant 0 : i32
      %dma_start3A_76 = tpu.memref_slice %arg8[%run_scoped3A_72, %dma_start3A_75] : memref<40x250xi32, #tpu.memory_space<vmem>> -> memref<1x250xi32, #tpu.memory_space<vmem>>
      %dma_start3A_77 = tpu.memref_squeeze %dma_start3A_76 : memref<1x250xi32, #tpu.memory_space<vmem>> -> memref<250xi32, #tpu.memory_space<vmem>>
      %dma_start3A_78 = arith.constant 0 : i32
      %dma_start3A_79 = arith.constant 0 : i32
      %dma_start3A_80 = tpu.memref_slice %arg11[%dma_start3A_78, %dma_start3A_79] : memref<10240x64xf32, #tpu.memory_space<vmem_shared>> -> memref<10240x64xf32, #tpu.memory_space<vmem_shared>>
      tpu.enqueue_indirect_dma source(%arg10 : memref<250x64xf32, #tpu.memory_space<vmem>>) target(%dma_start3A_80 : memref<10240x64xf32, #tpu.memory_space<vmem_shared>>) offsets(%dma_start3A_77 : memref<250xi32, #tpu.memory_space<vmem>>) semaphore(%run_scoped3A_74 : memref<!tpu.dma_semaphore, #tpu.memory_space<semaphore_mem>>) {add = true}
      %dma_wait3A_81 = arith.constant 0 : i32
      %dma_wait3A_82 = tpu.memref_slice %arg8[%run_scoped3A_72, %dma_wait3A_81] : memref<40x250xi32, #tpu.memory_space<vmem>> -> memref<1x250xi32, #tpu.memory_space<vmem>>
      %dma_wait3A_83 = tpu.memref_squeeze %dma_wait3A_82 : memref<1x250xi32, #tpu.memory_space<vmem>> -> memref<250xi32, #tpu.memory_space<vmem>>
      %dma_wait3A_84 = arith.constant 0 : i32
      %dma_wait3A_85 = arith.constant 0 : i32
      %dma_wait3A_86 = tpu.memref_slice %arg11[%dma_wait3A_84, %dma_wait3A_85] : memref<10240x64xf32, #tpu.memory_space<vmem_shared>> -> memref<10240x64xf32, #tpu.memory_space<vmem_shared>>
      tpu.wait_indirect_dma semaphore(%run_scoped3A_74 : memref<!tpu.dma_semaphore, #tpu.memory_space<semaphore_mem>>) src(%arg10 : memref<250x64xf32, #tpu.memory_space<vmem>>) dst(%dma_wait3A_86 : memref<10240x64xf32, #tpu.memory_space<vmem_shared>>)
      tpu.yield
    }) : () -> ()
    %barrier3A_73 = arith.constant 0 : index
    tpu.barrier barrier_id(%barrier3A_73)
    "tpu.region"() ({
      %run_scoped3A_74 = tpu.sem_alloc : memref<!tpu.dma_semaphore, #tpu.memory_space<semaphore_mem>>
      %dma_start3A_75 = arith.constant 64 : i32
      %dma_start3A_76 = tpu.memref_slice %arg6[%arg0, %mul3A_3, %dma_start3A_75] : memref<2x10240x128xf32, #tpu.memory_space<hbm>> -> memref<1x640x64xf32, #tpu.memory_space<hbm>>
      %dma_start3A_77 = tpu.memref_squeeze %dma_start3A_76 : memref<1x640x64xf32, #tpu.memory_space<hbm>> -> memref<640x64xf32, #tpu.memory_space<hbm>>
      %dma_start3A_78 = arith.constant 0 : i32
      %dma_start3A_79 = tpu.memref_slice %arg11[%mul3A_3, %dma_start3A_78] : memref<10240x64xf32, #tpu.memory_space<vmem_shared>> -> memref<640x64xf32, #tpu.memory_space<vmem_shared>>
      tpu.enqueue_dma source(%dma_start3A_79 : memref<640x64xf32, #tpu.memory_space<vmem_shared>>) target(%dma_start3A_77 : memref<640x64xf32, #tpu.memory_space<hbm>>) target_semaphore(%run_scoped3A_74 : memref<!tpu.dma_semaphore, #tpu.memory_space<semaphore_mem>>)
      %dma_wait3A_80 = arith.constant 64 : i32
      %dma_wait3A_81 = tpu.memref_slice %arg6[%arg0, %mul3A_3, %dma_wait3A_80] : memref<2x10240x128xf32, #tpu.memory_space<hbm>> -> memref<1x640x64xf32, #tpu.memory_space<hbm>>
      %dma_wait3A_82 = tpu.memref_squeeze %dma_wait3A_81 : memref<1x640x64xf32, #tpu.memory_space<hbm>> -> memref<640x64xf32, #tpu.memory_space<hbm>>
      %dma_wait3A_83 = arith.constant 0 : i32
      %dma_wait3A_84 = tpu.memref_slice %arg11[%mul3A_3, %dma_wait3A_83] : memref<10240x64xf32, #tpu.memory_space<vmem_shared>> -> memref<640x64xf32, #tpu.memory_space<vmem_shared>>
      tpu.wait_dma2 semaphore(%run_scoped3A_74 : memref<!tpu.dma_semaphore, #tpu.memory_space<semaphore_mem>>) src(%dma_wait3A_84 : memref<640x64xf32, #tpu.memory_space<vmem_shared>>) dst(%dma_wait3A_82 : memref<640x64xf32, #tpu.memory_space<hbm>>)
      tpu.yield
    }) : () -> ()
    return
  }
}

#map = affine_map<(d0, d1) -> (0, 0)>
#map1 = affine_map<(d0, d1) -> (0, 0, 0, 0)>
#map2 = affine_map<(d0, d1) -> (0, 0, 0)>
module attributes {stable_mosaic.version = 14 : i64} {
  func.func @_agg_body(%arg0: i32, %arg1: i32, %arg2: memref<10000x16xf32, #tpu.memory_space<hbm>>, %arg3: memref<2x32x16x625xi32, #tpu.memory_space<hbm>>, %arg4: memref<10240x16xf32, #tpu.memory_space<hbm>>, %arg5: memref<1x16xf32, #tpu.memory_space<hbm>>, %arg6: memref<10240x16xf32, #tpu.memory_space<hbm>>, %arg7: memref<2x10240x16xf32, #tpu.memory_space<hbm>>, %arg8: memref<16x625xi32, #tpu.memory_space<vmem>>, %arg9: memref<16x625xi32, #tpu.memory_space<vmem>>, %arg10: memref<625x16xf32, #tpu.memory_space<vmem>>, %arg11: memref<625x16xf32, #tpu.memory_space<vmem>>, %arg12: memref<10240x16xf32, #tpu.memory_space<vmem_shared>>, %arg13: memref<640x16xf32, #tpu.memory_space<vmem>>, %arg14: memref<640x16xf32, #tpu.memory_space<vmem>>, %arg15: memref<1x16xf32, #tpu.memory_space<vmem>>, %arg16: memref<!tpu.dma_semaphore, #tpu.memory_space<semaphore_mem>>, %arg17: memref<!tpu.dma_semaphore, #tpu.memory_space<semaphore_mem>>) attributes {dimension_semantics = [#tpu.dimension_semantics<core_parallel>, #tpu.dimension_semantics<subcore_parallel>], iteration_bounds = array<i64: 2, 16>, scalar_prefetch = 0 : i64, scratch_operands = 10 : i64, tpu.core_type = #tpu.core_type<sc_vector_subcore>, window_params = [{transform_indices = #map}, {transform_indices = #map1}, {transform_indices = #map}, {transform_indices = #map}, {transform_indices = #map}, {transform_indices = #map2}]} {
    %mul3A = arith.constant 16 : i32
    %mul3A_0 = arith.muli %arg0, %mul3A : i32
    %add3A = arith.addi %mul3A_0, %arg1 : i32
    %run_scoped3A = arith.constant 0 : i32
    "tpu.region"() ({
      %run_scoped3A_50 = tpu.sem_alloc : memref<!tpu.dma_semaphore, #tpu.memory_space<semaphore_mem>>
      %dma_start3A_51 = arith.constant 0 : i32
      %dma_start3A_52 = arith.constant 0 : i32
      %dma_start3A_53 = tpu.memref_slice %arg3[%run_scoped3A, %add3A, %dma_start3A_51, %dma_start3A_52] : memref<2x32x16x625xi32, #tpu.memory_space<hbm>> -> memref<1x1x16x625xi32, #tpu.memory_space<hbm>>
      %dma_start3A_54 = tpu.memref_squeeze %dma_start3A_53 : memref<1x1x16x625xi32, #tpu.memory_space<hbm>> -> memref<16x625xi32, #tpu.memory_space<hbm>>
      %dma_start3A_55 = arith.constant 0 : i32
      %dma_start3A_56 = arith.constant 0 : i32
      %dma_start3A_57 = tpu.memref_slice %arg3[%run_scoped3A, %add3A, %dma_start3A_55, %dma_start3A_56] : memref<2x32x16x625xi32, #tpu.memory_space<hbm>> -> memref<1x1x16x625xi32, #tpu.memory_space<hbm>>
      %dma_start3A_58 = tpu.memref_squeeze %dma_start3A_57 : memref<1x1x16x625xi32, #tpu.memory_space<hbm>> -> memref<16x625xi32, #tpu.memory_space<hbm>>
      tpu.enqueue_dma source(%dma_start3A_58 : memref<16x625xi32, #tpu.memory_space<hbm>>) target(%arg8 : memref<16x625xi32, #tpu.memory_space<vmem>>) target_semaphore(%run_scoped3A_50 : memref<!tpu.dma_semaphore, #tpu.memory_space<semaphore_mem>>)
      %dma_wait3A_59 = arith.constant 0 : i32
      %dma_wait3A_60 = arith.constant 0 : i32
      %dma_wait3A_61 = tpu.memref_slice %arg3[%run_scoped3A, %add3A, %dma_wait3A_59, %dma_wait3A_60] : memref<2x32x16x625xi32, #tpu.memory_space<hbm>> -> memref<1x1x16x625xi32, #tpu.memory_space<hbm>>
      %dma_wait3A_62 = tpu.memref_squeeze %dma_wait3A_61 : memref<1x1x16x625xi32, #tpu.memory_space<hbm>> -> memref<16x625xi32, #tpu.memory_space<hbm>>
      %dma_wait3A_63 = arith.constant 0 : i32
      %dma_wait3A_64 = arith.constant 0 : i32
      %dma_wait3A_65 = tpu.memref_slice %arg3[%run_scoped3A, %add3A, %dma_wait3A_63, %dma_wait3A_64] : memref<2x32x16x625xi32, #tpu.memory_space<hbm>> -> memref<1x1x16x625xi32, #tpu.memory_space<hbm>>
      %dma_wait3A_66 = tpu.memref_squeeze %dma_wait3A_65 : memref<1x1x16x625xi32, #tpu.memory_space<hbm>> -> memref<16x625xi32, #tpu.memory_space<hbm>>
      tpu.wait_dma2 semaphore(%run_scoped3A_50 : memref<!tpu.dma_semaphore, #tpu.memory_space<semaphore_mem>>) src(%dma_wait3A_66 : memref<16x625xi32, #tpu.memory_space<hbm>>) dst(%arg8 : memref<16x625xi32, #tpu.memory_space<vmem>>)
      tpu.yield
    }) : () -> ()
    %run_scoped3A_1 = arith.constant 1 : i32
    "tpu.region"() ({
      %run_scoped3A_50 = tpu.sem_alloc : memref<!tpu.dma_semaphore, #tpu.memory_space<semaphore_mem>>
      %dma_start3A_51 = arith.constant 0 : i32
      %dma_start3A_52 = arith.constant 0 : i32
      %dma_start3A_53 = tpu.memref_slice %arg3[%run_scoped3A_1, %add3A, %dma_start3A_51, %dma_start3A_52] : memref<2x32x16x625xi32, #tpu.memory_space<hbm>> -> memref<1x1x16x625xi32, #tpu.memory_space<hbm>>
      %dma_start3A_54 = tpu.memref_squeeze %dma_start3A_53 : memref<1x1x16x625xi32, #tpu.memory_space<hbm>> -> memref<16x625xi32, #tpu.memory_space<hbm>>
      %dma_start3A_55 = arith.constant 0 : i32
      %dma_start3A_56 = arith.constant 0 : i32
      %dma_start3A_57 = tpu.memref_slice %arg3[%run_scoped3A_1, %add3A, %dma_start3A_55, %dma_start3A_56] : memref<2x32x16x625xi32, #tpu.memory_space<hbm>> -> memref<1x1x16x625xi32, #tpu.memory_space<hbm>>
      %dma_start3A_58 = tpu.memref_squeeze %dma_start3A_57 : memref<1x1x16x625xi32, #tpu.memory_space<hbm>> -> memref<16x625xi32, #tpu.memory_space<hbm>>
      tpu.enqueue_dma source(%dma_start3A_58 : memref<16x625xi32, #tpu.memory_space<hbm>>) target(%arg9 : memref<16x625xi32, #tpu.memory_space<vmem>>) target_semaphore(%run_scoped3A_50 : memref<!tpu.dma_semaphore, #tpu.memory_space<semaphore_mem>>)
      %dma_wait3A_59 = arith.constant 0 : i32
      %dma_wait3A_60 = arith.constant 0 : i32
      %dma_wait3A_61 = tpu.memref_slice %arg3[%run_scoped3A_1, %add3A, %dma_wait3A_59, %dma_wait3A_60] : memref<2x32x16x625xi32, #tpu.memory_space<hbm>> -> memref<1x1x16x625xi32, #tpu.memory_space<hbm>>
      %dma_wait3A_62 = tpu.memref_squeeze %dma_wait3A_61 : memref<1x1x16x625xi32, #tpu.memory_space<hbm>> -> memref<16x625xi32, #tpu.memory_space<hbm>>
      %dma_wait3A_63 = arith.constant 0 : i32
      %dma_wait3A_64 = arith.constant 0 : i32
      %dma_wait3A_65 = tpu.memref_slice %arg3[%run_scoped3A_1, %add3A, %dma_wait3A_63, %dma_wait3A_64] : memref<2x32x16x625xi32, #tpu.memory_space<hbm>> -> memref<1x1x16x625xi32, #tpu.memory_space<hbm>>
      %dma_wait3A_66 = tpu.memref_squeeze %dma_wait3A_65 : memref<1x1x16x625xi32, #tpu.memory_space<hbm>> -> memref<16x625xi32, #tpu.memory_space<hbm>>
      tpu.wait_dma2 semaphore(%run_scoped3A_50 : memref<!tpu.dma_semaphore, #tpu.memory_space<semaphore_mem>>) src(%dma_wait3A_66 : memref<16x625xi32, #tpu.memory_space<hbm>>) dst(%arg9 : memref<16x625xi32, #tpu.memory_space<vmem>>)
      tpu.yield
    }) : () -> ()
    %mul3A_2 = arith.constant 640 : i32
    %mul3A_3 = arith.muli %arg1, %mul3A_2 : i32
    "tpu.region"() ({
      %run_scoped3A_50 = tpu.sem_alloc : memref<!tpu.dma_semaphore, #tpu.memory_space<semaphore_mem>>
      %dma_start3A_51 = arith.constant 0 : i32
      %dma_start3A_52 = tpu.memref_slice %arg12[%mul3A_3, %dma_start3A_51] : memref<10240x16xf32, #tpu.memory_space<vmem_shared>> -> memref<640x16xf32, #tpu.memory_space<vmem_shared>>
      %dma_start3A_53 = arith.constant 0 : i32
      %dma_start3A_54 = tpu.memref_slice %arg6[%mul3A_3, %dma_start3A_53] : memref<10240x16xf32, #tpu.memory_space<hbm>> -> memref<640x16xf32, #tpu.memory_space<hbm>>
      tpu.enqueue_dma source(%dma_start3A_54 : memref<640x16xf32, #tpu.memory_space<hbm>>) target(%dma_start3A_52 : memref<640x16xf32, #tpu.memory_space<vmem_shared>>) target_semaphore(%run_scoped3A_50 : memref<!tpu.dma_semaphore, #tpu.memory_space<semaphore_mem>>)
      %dma_wait3A_55 = arith.constant 0 : i32
      %dma_wait3A_56 = tpu.memref_slice %arg12[%mul3A_3, %dma_wait3A_55] : memref<10240x16xf32, #tpu.memory_space<vmem_shared>> -> memref<640x16xf32, #tpu.memory_space<vmem_shared>>
      %dma_wait3A_57 = arith.constant 0 : i32
      %dma_wait3A_58 = tpu.memref_slice %arg6[%mul3A_3, %dma_wait3A_57] : memref<10240x16xf32, #tpu.memory_space<hbm>> -> memref<640x16xf32, #tpu.memory_space<hbm>>
      tpu.wait_dma2 semaphore(%run_scoped3A_50 : memref<!tpu.dma_semaphore, #tpu.memory_space<semaphore_mem>>) src(%dma_wait3A_58 : memref<640x16xf32, #tpu.memory_space<hbm>>) dst(%dma_wait3A_56 : memref<640x16xf32, #tpu.memory_space<vmem_shared>>)
      tpu.yield
    }) : () -> ()
    %barrier3A = arith.constant 0 : index
    tpu.barrier barrier_id(%barrier3A)
    %dma_start3A = arith.constant 0 : i32
    %dma_start3A_4 = arith.constant 0 : i32
    %dma_start3A_5 = tpu.memref_slice %arg8[%dma_start3A, %dma_start3A_4] : memref<16x625xi32, #tpu.memory_space<vmem>> -> memref<1x625xi32, #tpu.memory_space<vmem>>
    %dma_start3A_6 = tpu.memref_squeeze %dma_start3A_5 : memref<1x625xi32, #tpu.memory_space<vmem>> -> memref<625xi32, #tpu.memory_space<vmem>>
    %dma_start3A_7 = arith.constant 0 : i32
    %dma_start3A_8 = arith.constant 0 : i32
    %dma_start3A_9 = tpu.memref_slice %arg2[%dma_start3A_7, %dma_start3A_8] : memref<10000x16xf32, #tpu.memory_space<hbm>> -> memref<10000x16xf32, #tpu.memory_space<hbm>>
    tpu.enqueue_indirect_dma source(%dma_start3A_9 : memref<10000x16xf32, #tpu.memory_space<hbm>>) target(%arg10 : memref<625x16xf32, #tpu.memory_space<vmem>>) offsets(%dma_start3A_6 : memref<625xi32, #tpu.memory_space<vmem>>) semaphore(%arg16 : memref<!tpu.dma_semaphore, #tpu.memory_space<semaphore_mem>>)
    %scan3A = arith.constant 0 : i32
    %scan3A_10 = arith.constant 7 : i32
    %scan3A_11 = arith.addi %scan3A, %scan3A_10 : i32
    %scan3A_12 = arith.constant 1 : i32
    scf.for %scan3A_50 = %scan3A to %scan3A_11 step %scan3A_12  : i32 {
      %mul3A_51 = arith.constant 2 : i32
      %mul3A_52 = arith.muli %scan3A_50, %mul3A_51 : i32
      %add3A_53 = arith.constant 0 : i32
      %add3A_54 = arith.addi %add3A_53, %mul3A_52 : i32
      %add3A_55 = arith.constant 1 : i32
      %add3A_56 = arith.addi %add3A_54, %add3A_55 : i32
      %dma_start3A_57 = arith.constant 0 : i32
      %dma_start3A_58 = tpu.memref_slice %arg8[%add3A_56, %dma_start3A_57] : memref<16x625xi32, #tpu.memory_space<vmem>> -> memref<1x625xi32, #tpu.memory_space<vmem>>
      %dma_start3A_59 = tpu.memref_squeeze %dma_start3A_58 : memref<1x625xi32, #tpu.memory_space<vmem>> -> memref<625xi32, #tpu.memory_space<vmem>>
      %dma_start3A_60 = arith.constant 0 : i32
      %dma_start3A_61 = arith.constant 0 : i32
      %dma_start3A_62 = tpu.memref_slice %arg2[%dma_start3A_60, %dma_start3A_61] : memref<10000x16xf32, #tpu.memory_space<hbm>> -> memref<10000x16xf32, #tpu.memory_space<hbm>>
      tpu.enqueue_indirect_dma source(%dma_start3A_62 : memref<10000x16xf32, #tpu.memory_space<hbm>>) target(%arg11 : memref<625x16xf32, #tpu.memory_space<vmem>>) offsets(%dma_start3A_59 : memref<625xi32, #tpu.memory_space<vmem>>) semaphore(%arg17 : memref<!tpu.dma_semaphore, #tpu.memory_space<semaphore_mem>>)
      %dma_wait3A_63 = arith.constant 0 : i32
      %dma_wait3A_64 = tpu.memref_slice %arg8[%add3A_54, %dma_wait3A_63] : memref<16x625xi32, #tpu.memory_space<vmem>> -> memref<1x625xi32, #tpu.memory_space<vmem>>
      %dma_wait3A_65 = tpu.memref_squeeze %dma_wait3A_64 : memref<1x625xi32, #tpu.memory_space<vmem>> -> memref<625xi32, #tpu.memory_space<vmem>>
      %dma_wait3A_66 = arith.constant 0 : i32
      %dma_wait3A_67 = arith.constant 0 : i32
      %dma_wait3A_68 = tpu.memref_slice %arg2[%dma_wait3A_66, %dma_wait3A_67] : memref<10000x16xf32, #tpu.memory_space<hbm>> -> memref<10000x16xf32, #tpu.memory_space<hbm>>
      tpu.wait_indirect_dma semaphore(%arg16 : memref<!tpu.dma_semaphore, #tpu.memory_space<semaphore_mem>>) src(%dma_wait3A_68 : memref<10000x16xf32, #tpu.memory_space<hbm>>) dst(%arg10 : memref<625x16xf32, #tpu.memory_space<vmem>>)
      "tpu.region"() ({
        %run_scoped3A_87 = tpu.sem_alloc : memref<!tpu.dma_semaphore, #tpu.memory_space<semaphore_mem>>
        %dma_start3A_88 = arith.constant 0 : i32
        %dma_start3A_89 = tpu.memref_slice %arg9[%add3A_54, %dma_start3A_88] : memref<16x625xi32, #tpu.memory_space<vmem>> -> memref<1x625xi32, #tpu.memory_space<vmem>>
        %dma_start3A_90 = tpu.memref_squeeze %dma_start3A_89 : memref<1x625xi32, #tpu.memory_space<vmem>> -> memref<625xi32, #tpu.memory_space<vmem>>
        %dma_start3A_91 = arith.constant 0 : i32
        %dma_start3A_92 = arith.constant 0 : i32
        %dma_start3A_93 = tpu.memref_slice %arg12[%dma_start3A_91, %dma_start3A_92] : memref<10240x16xf32, #tpu.memory_space<vmem_shared>> -> memref<10240x16xf32, #tpu.memory_space<vmem_shared>>
        tpu.enqueue_indirect_dma source(%arg10 : memref<625x16xf32, #tpu.memory_space<vmem>>) target(%dma_start3A_93 : memref<10240x16xf32, #tpu.memory_space<vmem_shared>>) offsets(%dma_start3A_90 : memref<625xi32, #tpu.memory_space<vmem>>) semaphore(%run_scoped3A_87 : memref<!tpu.dma_semaphore, #tpu.memory_space<semaphore_mem>>) {add = true}
        %dma_wait3A_94 = arith.constant 0 : i32
        %dma_wait3A_95 = tpu.memref_slice %arg9[%add3A_54, %dma_wait3A_94] : memref<16x625xi32, #tpu.memory_space<vmem>> -> memref<1x625xi32, #tpu.memory_space<vmem>>
        %dma_wait3A_96 = tpu.memref_squeeze %dma_wait3A_95 : memref<1x625xi32, #tpu.memory_space<vmem>> -> memref<625xi32, #tpu.memory_space<vmem>>
        %dma_wait3A_97 = arith.constant 0 : i32
        %dma_wait3A_98 = arith.constant 0 : i32
        %dma_wait3A_99 = tpu.memref_slice %arg12[%dma_wait3A_97, %dma_wait3A_98] : memref<10240x16xf32, #tpu.memory_space<vmem_shared>> -> memref<10240x16xf32, #tpu.memory_space<vmem_shared>>
        tpu.wait_indirect_dma semaphore(%run_scoped3A_87 : memref<!tpu.dma_semaphore, #tpu.memory_space<semaphore_mem>>) src(%arg10 : memref<625x16xf32, #tpu.memory_space<vmem>>) dst(%dma_wait3A_99 : memref<10240x16xf32, #tpu.memory_space<vmem_shared>>)
        tpu.yield
      }) : () -> ()
      %add3A_69 = arith.constant 2 : i32
      %add3A_70 = arith.addi %add3A_54, %add3A_69 : i32
      %dma_start3A_71 = arith.constant 0 : i32
      %dma_start3A_72 = tpu.memref_slice %arg8[%add3A_70, %dma_start3A_71] : memref<16x625xi32, #tpu.memory_space<vmem>> -> memref<1x625xi32, #tpu.memory_space<vmem>>
      %dma_start3A_73 = tpu.memref_squeeze %dma_start3A_72 : memref<1x625xi32, #tpu.memory_space<vmem>> -> memref<625xi32, #tpu.memory_space<vmem>>
      %dma_start3A_74 = arith.constant 0 : i32
      %dma_start3A_75 = arith.constant 0 : i32
      %dma_start3A_76 = tpu.memref_slice %arg2[%dma_start3A_74, %dma_start3A_75] : memref<10000x16xf32, #tpu.memory_space<hbm>> -> memref<10000x16xf32, #tpu.memory_space<hbm>>
      tpu.enqueue_indirect_dma source(%dma_start3A_76 : memref<10000x16xf32, #tpu.memory_space<hbm>>) target(%arg10 : memref<625x16xf32, #tpu.memory_space<vmem>>) offsets(%dma_start3A_73 : memref<625xi32, #tpu.memory_space<vmem>>) semaphore(%arg16 : memref<!tpu.dma_semaphore, #tpu.memory_space<semaphore_mem>>)
      %add3A_77 = arith.constant 1 : i32
      %add3A_78 = arith.addi %add3A_54, %add3A_77 : i32
      %dma_wait3A_79 = arith.constant 0 : i32
      %dma_wait3A_80 = tpu.memref_slice %arg8[%add3A_78, %dma_wait3A_79] : memref<16x625xi32, #tpu.memory_space<vmem>> -> memref<1x625xi32, #tpu.memory_space<vmem>>
      %dma_wait3A_81 = tpu.memref_squeeze %dma_wait3A_80 : memref<1x625xi32, #tpu.memory_space<vmem>> -> memref<625xi32, #tpu.memory_space<vmem>>
      %dma_wait3A_82 = arith.constant 0 : i32
      %dma_wait3A_83 = arith.constant 0 : i32
      %dma_wait3A_84 = tpu.memref_slice %arg2[%dma_wait3A_82, %dma_wait3A_83] : memref<10000x16xf32, #tpu.memory_space<hbm>> -> memref<10000x16xf32, #tpu.memory_space<hbm>>
      tpu.wait_indirect_dma semaphore(%arg17 : memref<!tpu.dma_semaphore, #tpu.memory_space<semaphore_mem>>) src(%dma_wait3A_84 : memref<10000x16xf32, #tpu.memory_space<hbm>>) dst(%arg11 : memref<625x16xf32, #tpu.memory_space<vmem>>)
      %add3A_85 = arith.constant 1 : i32
      %add3A_86 = arith.addi %add3A_54, %add3A_85 : i32
      "tpu.region"() ({
        %run_scoped3A_87 = tpu.sem_alloc : memref<!tpu.dma_semaphore, #tpu.memory_space<semaphore_mem>>
        %dma_start3A_88 = arith.constant 0 : i32
        %dma_start3A_89 = tpu.memref_slice %arg9[%add3A_86, %dma_start3A_88] : memref<16x625xi32, #tpu.memory_space<vmem>> -> memref<1x625xi32, #tpu.memory_space<vmem>>
        %dma_start3A_90 = tpu.memref_squeeze %dma_start3A_89 : memref<1x625xi32, #tpu.memory_space<vmem>> -> memref<625xi32, #tpu.memory_space<vmem>>
        %dma_start3A_91 = arith.constant 0 : i32
        %dma_start3A_92 = arith.constant 0 : i32
        %dma_start3A_93 = tpu.memref_slice %arg12[%dma_start3A_91, %dma_start3A_92] : memref<10240x16xf32, #tpu.memory_space<vmem_shared>> -> memref<10240x16xf32, #tpu.memory_space<vmem_shared>>
        tpu.enqueue_indirect_dma source(%arg11 : memref<625x16xf32, #tpu.memory_space<vmem>>) target(%dma_start3A_93 : memref<10240x16xf32, #tpu.memory_space<vmem_shared>>) offsets(%dma_start3A_90 : memref<625xi32, #tpu.memory_space<vmem>>) semaphore(%run_scoped3A_87 : memref<!tpu.dma_semaphore, #tpu.memory_space<semaphore_mem>>) {add = true}
        %dma_wait3A_94 = arith.constant 0 : i32
        %dma_wait3A_95 = tpu.memref_slice %arg9[%add3A_86, %dma_wait3A_94] : memref<16x625xi32, #tpu.memory_space<vmem>> -> memref<1x625xi32, #tpu.memory_space<vmem>>
        %dma_wait3A_96 = tpu.memref_squeeze %dma_wait3A_95 : memref<1x625xi32, #tpu.memory_space<vmem>> -> memref<625xi32, #tpu.memory_space<vmem>>
        %dma_wait3A_97 = arith.constant 0 : i32
        %dma_wait3A_98 = arith.constant 0 : i32
        %dma_wait3A_99 = tpu.memref_slice %arg12[%dma_wait3A_97, %dma_wait3A_98] : memref<10240x16xf32, #tpu.memory_space<vmem_shared>> -> memref<10240x16xf32, #tpu.memory_space<vmem_shared>>
        tpu.wait_indirect_dma semaphore(%run_scoped3A_87 : memref<!tpu.dma_semaphore, #tpu.memory_space<semaphore_mem>>) src(%arg11 : memref<625x16xf32, #tpu.memory_space<vmem>>) dst(%dma_wait3A_99 : memref<10240x16xf32, #tpu.memory_space<vmem_shared>>)
        tpu.yield
      }) : () -> ()
    }
    %scan3A_13 = arith.constant 7 : i32
    %dma_start3A_14 = arith.constant 15 : i32
    %dma_start3A_15 = arith.constant 0 : i32
    %dma_start3A_16 = tpu.memref_slice %arg8[%dma_start3A_14, %dma_start3A_15] : memref<16x625xi32, #tpu.memory_space<vmem>> -> memref<1x625xi32, #tpu.memory_space<vmem>>
    %dma_start3A_17 = tpu.memref_squeeze %dma_start3A_16 : memref<1x625xi32, #tpu.memory_space<vmem>> -> memref<625xi32, #tpu.memory_space<vmem>>
    %dma_start3A_18 = arith.constant 0 : i32
    %dma_start3A_19 = arith.constant 0 : i32
    %dma_start3A_20 = tpu.memref_slice %arg2[%dma_start3A_18, %dma_start3A_19] : memref<10000x16xf32, #tpu.memory_space<hbm>> -> memref<10000x16xf32, #tpu.memory_space<hbm>>
    tpu.enqueue_indirect_dma source(%dma_start3A_20 : memref<10000x16xf32, #tpu.memory_space<hbm>>) target(%arg11 : memref<625x16xf32, #tpu.memory_space<vmem>>) offsets(%dma_start3A_17 : memref<625xi32, #tpu.memory_space<vmem>>) semaphore(%arg17 : memref<!tpu.dma_semaphore, #tpu.memory_space<semaphore_mem>>)
    %dma_wait3A = arith.constant 14 : i32
    %dma_wait3A_21 = arith.constant 0 : i32
    %dma_wait3A_22 = tpu.memref_slice %arg8[%dma_wait3A, %dma_wait3A_21] : memref<16x625xi32, #tpu.memory_space<vmem>> -> memref<1x625xi32, #tpu.memory_space<vmem>>
    %dma_wait3A_23 = tpu.memref_squeeze %dma_wait3A_22 : memref<1x625xi32, #tpu.memory_space<vmem>> -> memref<625xi32, #tpu.memory_space<vmem>>
    %dma_wait3A_24 = arith.constant 0 : i32
    %dma_wait3A_25 = arith.constant 0 : i32
    %dma_wait3A_26 = tpu.memref_slice %arg2[%dma_wait3A_24, %dma_wait3A_25] : memref<10000x16xf32, #tpu.memory_space<hbm>> -> memref<10000x16xf32, #tpu.memory_space<hbm>>
    tpu.wait_indirect_dma semaphore(%arg16 : memref<!tpu.dma_semaphore, #tpu.memory_space<semaphore_mem>>) src(%dma_wait3A_26 : memref<10000x16xf32, #tpu.memory_space<hbm>>) dst(%arg10 : memref<625x16xf32, #tpu.memory_space<vmem>>)
    %run_scoped3A_27 = arith.constant 14 : i32
    "tpu.region"() ({
      %run_scoped3A_50 = tpu.sem_alloc : memref<!tpu.dma_semaphore, #tpu.memory_space<semaphore_mem>>
      %dma_start3A_51 = arith.constant 0 : i32
      %dma_start3A_52 = tpu.memref_slice %arg9[%run_scoped3A_27, %dma_start3A_51] : memref<16x625xi32, #tpu.memory_space<vmem>> -> memref<1x625xi32, #tpu.memory_space<vmem>>
      %dma_start3A_53 = tpu.memref_squeeze %dma_start3A_52 : memref<1x625xi32, #tpu.memory_space<vmem>> -> memref<625xi32, #tpu.memory_space<vmem>>
      %dma_start3A_54 = arith.constant 0 : i32
      %dma_start3A_55 = arith.constant 0 : i32
      %dma_start3A_56 = tpu.memref_slice %arg12[%dma_start3A_54, %dma_start3A_55] : memref<10240x16xf32, #tpu.memory_space<vmem_shared>> -> memref<10240x16xf32, #tpu.memory_space<vmem_shared>>
      tpu.enqueue_indirect_dma source(%arg10 : memref<625x16xf32, #tpu.memory_space<vmem>>) target(%dma_start3A_56 : memref<10240x16xf32, #tpu.memory_space<vmem_shared>>) offsets(%dma_start3A_53 : memref<625xi32, #tpu.memory_space<vmem>>) semaphore(%run_scoped3A_50 : memref<!tpu.dma_semaphore, #tpu.memory_space<semaphore_mem>>) {add = true}
      %dma_wait3A_57 = arith.constant 0 : i32
      %dma_wait3A_58 = tpu.memref_slice %arg9[%run_scoped3A_27, %dma_wait3A_57] : memref<16x625xi32, #tpu.memory_space<vmem>> -> memref<1x625xi32, #tpu.memory_space<vmem>>
      %dma_wait3A_59 = tpu.memref_squeeze %dma_wait3A_58 : memref<1x625xi32, #tpu.memory_space<vmem>> -> memref<625xi32, #tpu.memory_space<vmem>>
      %dma_wait3A_60 = arith.constant 0 : i32
      %dma_wait3A_61 = arith.constant 0 : i32
      %dma_wait3A_62 = tpu.memref_slice %arg12[%dma_wait3A_60, %dma_wait3A_61] : memref<10240x16xf32, #tpu.memory_space<vmem_shared>> -> memref<10240x16xf32, #tpu.memory_space<vmem_shared>>
      tpu.wait_indirect_dma semaphore(%run_scoped3A_50 : memref<!tpu.dma_semaphore, #tpu.memory_space<semaphore_mem>>) src(%arg10 : memref<625x16xf32, #tpu.memory_space<vmem>>) dst(%dma_wait3A_62 : memref<10240x16xf32, #tpu.memory_space<vmem_shared>>)
      tpu.yield
    }) : () -> ()
    %dma_wait3A_28 = arith.constant 15 : i32
    %dma_wait3A_29 = arith.constant 0 : i32
    %dma_wait3A_30 = tpu.memref_slice %arg8[%dma_wait3A_28, %dma_wait3A_29] : memref<16x625xi32, #tpu.memory_space<vmem>> -> memref<1x625xi32, #tpu.memory_space<vmem>>
    %dma_wait3A_31 = tpu.memref_squeeze %dma_wait3A_30 : memref<1x625xi32, #tpu.memory_space<vmem>> -> memref<625xi32, #tpu.memory_space<vmem>>
    %dma_wait3A_32 = arith.constant 0 : i32
    %dma_wait3A_33 = arith.constant 0 : i32
    %dma_wait3A_34 = tpu.memref_slice %arg2[%dma_wait3A_32, %dma_wait3A_33] : memref<10000x16xf32, #tpu.memory_space<hbm>> -> memref<10000x16xf32, #tpu.memory_space<hbm>>
    tpu.wait_indirect_dma semaphore(%arg17 : memref<!tpu.dma_semaphore, #tpu.memory_space<semaphore_mem>>) src(%dma_wait3A_34 : memref<10000x16xf32, #tpu.memory_space<hbm>>) dst(%arg11 : memref<625x16xf32, #tpu.memory_space<vmem>>)
    %run_scoped3A_35 = arith.constant 15 : i32
    "tpu.region"() ({
      %run_scoped3A_50 = tpu.sem_alloc : memref<!tpu.dma_semaphore, #tpu.memory_space<semaphore_mem>>
      %dma_start3A_51 = arith.constant 0 : i32
      %dma_start3A_52 = tpu.memref_slice %arg9[%run_scoped3A_35, %dma_start3A_51] : memref<16x625xi32, #tpu.memory_space<vmem>> -> memref<1x625xi32, #tpu.memory_space<vmem>>
      %dma_start3A_53 = tpu.memref_squeeze %dma_start3A_52 : memref<1x625xi32, #tpu.memory_space<vmem>> -> memref<625xi32, #tpu.memory_space<vmem>>
      %dma_start3A_54 = arith.constant 0 : i32
      %dma_start3A_55 = arith.constant 0 : i32
      %dma_start3A_56 = tpu.memref_slice %arg12[%dma_start3A_54, %dma_start3A_55] : memref<10240x16xf32, #tpu.memory_space<vmem_shared>> -> memref<10240x16xf32, #tpu.memory_space<vmem_shared>>
      tpu.enqueue_indirect_dma source(%arg11 : memref<625x16xf32, #tpu.memory_space<vmem>>) target(%dma_start3A_56 : memref<10240x16xf32, #tpu.memory_space<vmem_shared>>) offsets(%dma_start3A_53 : memref<625xi32, #tpu.memory_space<vmem>>) semaphore(%run_scoped3A_50 : memref<!tpu.dma_semaphore, #tpu.memory_space<semaphore_mem>>) {add = true}
      %dma_wait3A_57 = arith.constant 0 : i32
      %dma_wait3A_58 = tpu.memref_slice %arg9[%run_scoped3A_35, %dma_wait3A_57] : memref<16x625xi32, #tpu.memory_space<vmem>> -> memref<1x625xi32, #tpu.memory_space<vmem>>
      %dma_wait3A_59 = tpu.memref_squeeze %dma_wait3A_58 : memref<1x625xi32, #tpu.memory_space<vmem>> -> memref<625xi32, #tpu.memory_space<vmem>>
      %dma_wait3A_60 = arith.constant 0 : i32
      %dma_wait3A_61 = arith.constant 0 : i32
      %dma_wait3A_62 = tpu.memref_slice %arg12[%dma_wait3A_60, %dma_wait3A_61] : memref<10240x16xf32, #tpu.memory_space<vmem_shared>> -> memref<10240x16xf32, #tpu.memory_space<vmem_shared>>
      tpu.wait_indirect_dma semaphore(%run_scoped3A_50 : memref<!tpu.dma_semaphore, #tpu.memory_space<semaphore_mem>>) src(%arg11 : memref<625x16xf32, #tpu.memory_space<vmem>>) dst(%dma_wait3A_62 : memref<10240x16xf32, #tpu.memory_space<vmem_shared>>)
      tpu.yield
    }) : () -> ()
    %barrier3A_36 = arith.constant 0 : index
    tpu.barrier barrier_id(%barrier3A_36)
    "tpu.region"() ({
      %run_scoped3A_50 = tpu.sem_alloc : memref<!tpu.dma_semaphore, #tpu.memory_space<semaphore_mem>>
      %dma_start3A_51 = arith.constant 0 : i32
      %dma_start3A_52 = tpu.memref_slice %arg12[%mul3A_3, %dma_start3A_51] : memref<10240x16xf32, #tpu.memory_space<vmem_shared>> -> memref<640x16xf32, #tpu.memory_space<vmem_shared>>
      %dma_start3A_53 = arith.constant 0 : i32
      %dma_start3A_54 = tpu.memref_slice %arg12[%mul3A_3, %dma_start3A_53] : memref<10240x16xf32, #tpu.memory_space<vmem_shared>> -> memref<640x16xf32, #tpu.memory_space<vmem_shared>>
      tpu.enqueue_dma source(%dma_start3A_54 : memref<640x16xf32, #tpu.memory_space<vmem_shared>>) target(%arg13 : memref<640x16xf32, #tpu.memory_space<vmem>>) target_semaphore(%run_scoped3A_50 : memref<!tpu.dma_semaphore, #tpu.memory_space<semaphore_mem>>)
      %dma_wait3A_55 = arith.constant 0 : i32
      %dma_wait3A_56 = tpu.memref_slice %arg12[%mul3A_3, %dma_wait3A_55] : memref<10240x16xf32, #tpu.memory_space<vmem_shared>> -> memref<640x16xf32, #tpu.memory_space<vmem_shared>>
      %dma_wait3A_57 = arith.constant 0 : i32
      %dma_wait3A_58 = tpu.memref_slice %arg12[%mul3A_3, %dma_wait3A_57] : memref<10240x16xf32, #tpu.memory_space<vmem_shared>> -> memref<640x16xf32, #tpu.memory_space<vmem_shared>>
      tpu.wait_dma2 semaphore(%run_scoped3A_50 : memref<!tpu.dma_semaphore, #tpu.memory_space<semaphore_mem>>) src(%dma_wait3A_58 : memref<640x16xf32, #tpu.memory_space<vmem_shared>>) dst(%arg13 : memref<640x16xf32, #tpu.memory_space<vmem>>)
      tpu.yield
    }) : () -> ()
    "tpu.region"() ({
      %run_scoped3A_50 = tpu.sem_alloc : memref<!tpu.dma_semaphore, #tpu.memory_space<semaphore_mem>>
      %dma_start3A_51 = arith.constant 0 : i32
      %dma_start3A_52 = tpu.memref_slice %arg4[%mul3A_3, %dma_start3A_51] : memref<10240x16xf32, #tpu.memory_space<hbm>> -> memref<640x16xf32, #tpu.memory_space<hbm>>
      %dma_start3A_53 = arith.constant 0 : i32
      %dma_start3A_54 = tpu.memref_slice %arg4[%mul3A_3, %dma_start3A_53] : memref<10240x16xf32, #tpu.memory_space<hbm>> -> memref<640x16xf32, #tpu.memory_space<hbm>>
      tpu.enqueue_dma source(%dma_start3A_54 : memref<640x16xf32, #tpu.memory_space<hbm>>) target(%arg14 : memref<640x16xf32, #tpu.memory_space<vmem>>) target_semaphore(%run_scoped3A_50 : memref<!tpu.dma_semaphore, #tpu.memory_space<semaphore_mem>>)
      %dma_wait3A_55 = arith.constant 0 : i32
      %dma_wait3A_56 = tpu.memref_slice %arg4[%mul3A_3, %dma_wait3A_55] : memref<10240x16xf32, #tpu.memory_space<hbm>> -> memref<640x16xf32, #tpu.memory_space<hbm>>
      %dma_wait3A_57 = arith.constant 0 : i32
      %dma_wait3A_58 = tpu.memref_slice %arg4[%mul3A_3, %dma_wait3A_57] : memref<10240x16xf32, #tpu.memory_space<hbm>> -> memref<640x16xf32, #tpu.memory_space<hbm>>
      tpu.wait_dma2 semaphore(%run_scoped3A_50 : memref<!tpu.dma_semaphore, #tpu.memory_space<semaphore_mem>>) src(%dma_wait3A_58 : memref<640x16xf32, #tpu.memory_space<hbm>>) dst(%arg14 : memref<640x16xf32, #tpu.memory_space<vmem>>)
      tpu.yield
    }) : () -> ()
    "tpu.region"() ({
      %run_scoped3A_50 = tpu.sem_alloc : memref<!tpu.dma_semaphore, #tpu.memory_space<semaphore_mem>>
      tpu.enqueue_dma source(%arg5 : memref<1x16xf32, #tpu.memory_space<hbm>>) target(%arg15 : memref<1x16xf32, #tpu.memory_space<vmem>>) target_semaphore(%run_scoped3A_50 : memref<!tpu.dma_semaphore, #tpu.memory_space<semaphore_mem>>)
      tpu.wait_dma2 semaphore(%run_scoped3A_50 : memref<!tpu.dma_semaphore, #tpu.memory_space<semaphore_mem>>) src(%arg5 : memref<1x16xf32, #tpu.memory_space<hbm>>) dst(%arg15 : memref<1x16xf32, #tpu.memory_space<vmem>>)
      tpu.yield
    }) : () -> ()
    %eq3A = arith.constant 0 : i32
    %eq3A_37 = arith.cmpi eq, %arg0, %eq3A : i32
    %jit3A = arith.constant 1.000000e+00 : f32
    %jit3A_38 = arith.constant 0.000000e+00 : f32
    %select_n3A = arith.select %eq3A_37, %jit3A, %jit3A_38 : f32
    %get3A = arith.constant 0 : i32
    %get3A_39 = arith.index_cast %get3A : i32 to index
    %get3A_40 = arith.constant 0 : index
    %get3A_41 = tpu.vector_load %arg15[%get3A_39, %get3A_40] {strides = array<i32>} : memref<1x16xf32, #tpu.memory_space<vmem>>, vector<1x16xf32>,
    %get3A_42 = vector.shape_cast %get3A_41 : vector<1x16xf32> to vector<16xf32>
    %mul3A_43 = vector.broadcast %select_n3A : f32 to vector<16xf32>
    %mul3A_44 = arith.mulf %get3A_42, %mul3A_43 : vector<16xf32>
    %scan3A_45 = arith.constant 0 : i32
    %scan3A_46 = arith.constant 640 : i32
    %scan3A_47 = arith.addi %scan3A_45, %scan3A_46 : i32
    %scan3A_48 = arith.constant 1 : i32
    scf.for %scan3A_50 = %scan3A_45 to %scan3A_47 step %scan3A_48  : i32 {
      %mul3A_51 = arith.constant 1 : i32
      %mul3A_52 = arith.muli %scan3A_50, %mul3A_51 : i32
      %add3A_53 = arith.constant 0 : i32
      %add3A_54 = arith.addi %add3A_53, %mul3A_52 : i32
      %get3A_55 = arith.index_cast %add3A_54 : i32 to index
      %get3A_56 = arith.constant 0 : index
      %get3A_57 = tpu.vector_load %arg13[%get3A_55, %get3A_56] {strides = array<i32>} : memref<640x16xf32, #tpu.memory_space<vmem>>, vector<1x16xf32>,
      %get3A_58 = vector.shape_cast %get3A_57 : vector<1x16xf32> to vector<16xf32>
      %get3A_59 = arith.index_cast %add3A_54 : i32 to index
      %get3A_60 = arith.constant 0 : index
      %get3A_61 = tpu.vector_load %arg14[%get3A_59, %get3A_60] {strides = array<i32>} : memref<640x16xf32, #tpu.memory_space<vmem>>, vector<1x16xf32>,
      %get3A_62 = vector.shape_cast %get3A_61 : vector<1x16xf32> to vector<16xf32>
      %mul3A_63 = arith.mulf %get3A_58, %get3A_62 : vector<16xf32>
      %add3A_64 = arith.addf %mul3A_63, %mul3A_44 : vector<16xf32>
      %swap3A = arith.index_cast %add3A_54 : i32 to index
      %swap3A_65 = arith.constant 0 : index
      %swap3A_66 = tpu.vector_load %arg13[%swap3A, %swap3A_65] {strides = array<i32>} : memref<640x16xf32, #tpu.memory_space<vmem>>, vector<1x16xf32>,
      %swap3A_67 = vector.shape_cast %swap3A_66 : vector<1x16xf32> to vector<16xf32>
      %swap3A_68 = vector.shape_cast %add3A_64 : vector<16xf32> to vector<1x16xf32>
      tpu.vector_store %arg13[%swap3A, %swap3A_65], %swap3A_68 {strides = array<i32>} : memref<640x16xf32, #tpu.memory_space<vmem>>, vector<1x16xf32>,
    }
    %scan3A_49 = arith.constant 640 : i32
    "tpu.region"() ({
      %run_scoped3A_50 = tpu.sem_alloc : memref<!tpu.dma_semaphore, #tpu.memory_space<semaphore_mem>>
      %dma_start3A_51 = arith.constant 0 : i32
      %dma_start3A_52 = tpu.memref_slice %arg7[%arg0, %mul3A_3, %dma_start3A_51] : memref<2x10240x16xf32, #tpu.memory_space<hbm>> -> memref<1x640x16xf32, #tpu.memory_space<hbm>>
      %dma_start3A_53 = tpu.memref_squeeze %dma_start3A_52 : memref<1x640x16xf32, #tpu.memory_space<hbm>> -> memref<640x16xf32, #tpu.memory_space<hbm>>
      %dma_start3A_54 = arith.constant 0 : i32
      %dma_start3A_55 = tpu.memref_slice %arg7[%arg0, %mul3A_3, %dma_start3A_54] : memref<2x10240x16xf32, #tpu.memory_space<hbm>> -> memref<1x640x16xf32, #tpu.memory_space<hbm>>
      %dma_start3A_56 = tpu.memref_squeeze %dma_start3A_55 : memref<1x640x16xf32, #tpu.memory_space<hbm>> -> memref<640x16xf32, #tpu.memory_space<hbm>>
      tpu.enqueue_dma source(%arg13 : memref<640x16xf32, #tpu.memory_space<vmem>>) target(%dma_start3A_56 : memref<640x16xf32, #tpu.memory_space<hbm>>) target_semaphore(%run_scoped3A_50 : memref<!tpu.dma_semaphore, #tpu.memory_space<semaphore_mem>>)
      %dma_wait3A_57 = arith.constant 0 : i32
      %dma_wait3A_58 = tpu.memref_slice %arg7[%arg0, %mul3A_3, %dma_wait3A_57] : memref<2x10240x16xf32, #tpu.memory_space<hbm>> -> memref<1x640x16xf32, #tpu.memory_space<hbm>>
      %dma_wait3A_59 = tpu.memref_squeeze %dma_wait3A_58 : memref<1x640x16xf32, #tpu.memory_space<hbm>> -> memref<640x16xf32, #tpu.memory_space<hbm>>
      %dma_wait3A_60 = arith.constant 0 : i32
      %dma_wait3A_61 = tpu.memref_slice %arg7[%arg0, %mul3A_3, %dma_wait3A_60] : memref<2x10240x16xf32, #tpu.memory_space<hbm>> -> memref<1x640x16xf32, #tpu.memory_space<hbm>>
      %dma_wait3A_62 = tpu.memref_squeeze %dma_wait3A_61 : memref<1x640x16xf32, #tpu.memory_space<hbm>> -> memref<640x16xf32, #tpu.memory_space<hbm>>
      tpu.wait_dma2 semaphore(%run_scoped3A_50 : memref<!tpu.dma_semaphore, #tpu.memory_space<semaphore_mem>>) src(%arg13 : memref<640x16xf32, #tpu.memory_space<vmem>>) dst(%dma_wait3A_62 : memref<640x16xf32, #tpu.memory_space<hbm>>)
      tpu.yield
    }) : () -> ()
    return
  }
}

#map = affine_map<(d0, d1) -> (0, 0, 0, 0)>
#map1 = affine_map<(d0, d1) -> (0, 0)>
#map2 = affine_map<(d0, d1) -> (0, 0, 0)>
module attributes {stable_mosaic.version = 14 : i64} {
  func.func @_deg_body(%arg0: i32, %arg1: i32, %arg2: memref<2x32x16x625xi32, #tpu.memory_space<hbm>>, %arg3: memref<625x16xf32, #tpu.memory_space<hbm>>, %arg4: memref<10240x16xf32, #tpu.memory_space<hbm>>, %arg5: memref<2x10240x16xf32, #tpu.memory_space<hbm>>, %arg6: memref<2x10240x16xf32, #tpu.memory_space<hbm>>, %arg7: memref<16x625xi32, #tpu.memory_space<vmem>>, %arg8: memref<16x625xi32, #tpu.memory_space<vmem>>, %arg9: memref<625x16xf32, #tpu.memory_space<vmem>>, %arg10: memref<10240x16xf32, #tpu.memory_space<vmem_shared>>, %arg11: memref<10240x16xf32, #tpu.memory_space<vmem_shared>>) attributes {dimension_semantics = [#tpu.dimension_semantics<core_parallel>, #tpu.dimension_semantics<subcore_parallel>], iteration_bounds = array<i64: 2, 16>, scalar_prefetch = 0 : i64, scratch_operands = 5 : i64, tpu.core_type = #tpu.core_type<sc_vector_subcore>, window_params = [{transform_indices = #map}, {transform_indices = #map1}, {transform_indices = #map1}, {transform_indices = #map2}, {transform_indices = #map2}]} {
    %mul3A = arith.constant 16 : i32
    %mul3A_0 = arith.muli %arg0, %mul3A : i32
    %add3A = arith.addi %mul3A_0, %arg1 : i32
    %run_scoped3A = arith.constant 0 : i32
    "tpu.region"() ({
      %run_scoped3A_9 = tpu.sem_alloc : memref<!tpu.dma_semaphore, #tpu.memory_space<semaphore_mem>>
      %dma_start3A = arith.constant 0 : i32
      %dma_start3A_10 = arith.constant 0 : i32
      %dma_start3A_11 = tpu.memref_slice %arg2[%run_scoped3A, %add3A, %dma_start3A, %dma_start3A_10] : memref<2x32x16x625xi32, #tpu.memory_space<hbm>> -> memref<1x1x16x625xi32, #tpu.memory_space<hbm>>
      %dma_start3A_12 = tpu.memref_squeeze %dma_start3A_11 : memref<1x1x16x625xi32, #tpu.memory_space<hbm>> -> memref<16x625xi32, #tpu.memory_space<hbm>>
      %dma_start3A_13 = arith.constant 0 : i32
      %dma_start3A_14 = arith.constant 0 : i32
      %dma_start3A_15 = tpu.memref_slice %arg2[%run_scoped3A, %add3A, %dma_start3A_13, %dma_start3A_14] : memref<2x32x16x625xi32, #tpu.memory_space<hbm>> -> memref<1x1x16x625xi32, #tpu.memory_space<hbm>>
      %dma_start3A_16 = tpu.memref_squeeze %dma_start3A_15 : memref<1x1x16x625xi32, #tpu.memory_space<hbm>> -> memref<16x625xi32, #tpu.memory_space<hbm>>
      tpu.enqueue_dma source(%dma_start3A_16 : memref<16x625xi32, #tpu.memory_space<hbm>>) target(%arg7 : memref<16x625xi32, #tpu.memory_space<vmem>>) target_semaphore(%run_scoped3A_9 : memref<!tpu.dma_semaphore, #tpu.memory_space<semaphore_mem>>)
      %dma_wait3A = arith.constant 0 : i32
      %dma_wait3A_17 = arith.constant 0 : i32
      %dma_wait3A_18 = tpu.memref_slice %arg2[%run_scoped3A, %add3A, %dma_wait3A, %dma_wait3A_17] : memref<2x32x16x625xi32, #tpu.memory_space<hbm>> -> memref<1x1x16x625xi32, #tpu.memory_space<hbm>>
      %dma_wait3A_19 = tpu.memref_squeeze %dma_wait3A_18 : memref<1x1x16x625xi32, #tpu.memory_space<hbm>> -> memref<16x625xi32, #tpu.memory_space<hbm>>
      %dma_wait3A_20 = arith.constant 0 : i32
      %dma_wait3A_21 = arith.constant 0 : i32
      %dma_wait3A_22 = tpu.memref_slice %arg2[%run_scoped3A, %add3A, %dma_wait3A_20, %dma_wait3A_21] : memref<2x32x16x625xi32, #tpu.memory_space<hbm>> -> memref<1x1x16x625xi32, #tpu.memory_space<hbm>>
      %dma_wait3A_23 = tpu.memref_squeeze %dma_wait3A_22 : memref<1x1x16x625xi32, #tpu.memory_space<hbm>> -> memref<16x625xi32, #tpu.memory_space<hbm>>
      tpu.wait_dma2 semaphore(%run_scoped3A_9 : memref<!tpu.dma_semaphore, #tpu.memory_space<semaphore_mem>>) src(%dma_wait3A_23 : memref<16x625xi32, #tpu.memory_space<hbm>>) dst(%arg7 : memref<16x625xi32, #tpu.memory_space<vmem>>)
      tpu.yield
    }) : () -> ()
    %run_scoped3A_1 = arith.constant 1 : i32
    "tpu.region"() ({
      %run_scoped3A_9 = tpu.sem_alloc : memref<!tpu.dma_semaphore, #tpu.memory_space<semaphore_mem>>
      %dma_start3A = arith.constant 0 : i32
      %dma_start3A_10 = arith.constant 0 : i32
      %dma_start3A_11 = tpu.memref_slice %arg2[%run_scoped3A_1, %add3A, %dma_start3A, %dma_start3A_10] : memref<2x32x16x625xi32, #tpu.memory_space<hbm>> -> memref<1x1x16x625xi32, #tpu.memory_space<hbm>>
      %dma_start3A_12 = tpu.memref_squeeze %dma_start3A_11 : memref<1x1x16x625xi32, #tpu.memory_space<hbm>> -> memref<16x625xi32, #tpu.memory_space<hbm>>
      %dma_start3A_13 = arith.constant 0 : i32
      %dma_start3A_14 = arith.constant 0 : i32
      %dma_start3A_15 = tpu.memref_slice %arg2[%run_scoped3A_1, %add3A, %dma_start3A_13, %dma_start3A_14] : memref<2x32x16x625xi32, #tpu.memory_space<hbm>> -> memref<1x1x16x625xi32, #tpu.memory_space<hbm>>
      %dma_start3A_16 = tpu.memref_squeeze %dma_start3A_15 : memref<1x1x16x625xi32, #tpu.memory_space<hbm>> -> memref<16x625xi32, #tpu.memory_space<hbm>>
      tpu.enqueue_dma source(%dma_start3A_16 : memref<16x625xi32, #tpu.memory_space<hbm>>) target(%arg8 : memref<16x625xi32, #tpu.memory_space<vmem>>) target_semaphore(%run_scoped3A_9 : memref<!tpu.dma_semaphore, #tpu.memory_space<semaphore_mem>>)
      %dma_wait3A = arith.constant 0 : i32
      %dma_wait3A_17 = arith.constant 0 : i32
      %dma_wait3A_18 = tpu.memref_slice %arg2[%run_scoped3A_1, %add3A, %dma_wait3A, %dma_wait3A_17] : memref<2x32x16x625xi32, #tpu.memory_space<hbm>> -> memref<1x1x16x625xi32, #tpu.memory_space<hbm>>
      %dma_wait3A_19 = tpu.memref_squeeze %dma_wait3A_18 : memref<1x1x16x625xi32, #tpu.memory_space<hbm>> -> memref<16x625xi32, #tpu.memory_space<hbm>>
      %dma_wait3A_20 = arith.constant 0 : i32
      %dma_wait3A_21 = arith.constant 0 : i32
      %dma_wait3A_22 = tpu.memref_slice %arg2[%run_scoped3A_1, %add3A, %dma_wait3A_20, %dma_wait3A_21] : memref<2x32x16x625xi32, #tpu.memory_space<hbm>> -> memref<1x1x16x625xi32, #tpu.memory_space<hbm>>
      %dma_wait3A_23 = tpu.memref_squeeze %dma_wait3A_22 : memref<1x1x16x625xi32, #tpu.memory_space<hbm>> -> memref<16x625xi32, #tpu.memory_space<hbm>>
      tpu.wait_dma2 semaphore(%run_scoped3A_9 : memref<!tpu.dma_semaphore, #tpu.memory_space<semaphore_mem>>) src(%dma_wait3A_23 : memref<16x625xi32, #tpu.memory_space<hbm>>) dst(%arg8 : memref<16x625xi32, #tpu.memory_space<vmem>>)
      tpu.yield
    }) : () -> ()
    "tpu.region"() ({
      %run_scoped3A_9 = tpu.sem_alloc : memref<!tpu.dma_semaphore, #tpu.memory_space<semaphore_mem>>
      tpu.enqueue_dma source(%arg3 : memref<625x16xf32, #tpu.memory_space<hbm>>) target(%arg9 : memref<625x16xf32, #tpu.memory_space<vmem>>) target_semaphore(%run_scoped3A_9 : memref<!tpu.dma_semaphore, #tpu.memory_space<semaphore_mem>>)
      tpu.wait_dma2 semaphore(%run_scoped3A_9 : memref<!tpu.dma_semaphore, #tpu.memory_space<semaphore_mem>>) src(%arg3 : memref<625x16xf32, #tpu.memory_space<hbm>>) dst(%arg9 : memref<625x16xf32, #tpu.memory_space<vmem>>)
      tpu.yield
    }) : () -> ()
    %mul3A_2 = arith.constant 640 : i32
    %mul3A_3 = arith.muli %arg1, %mul3A_2 : i32
    "tpu.region"() ({
      %run_scoped3A_9 = tpu.sem_alloc : memref<!tpu.dma_semaphore, #tpu.memory_space<semaphore_mem>>
      %dma_start3A = arith.constant 0 : i32
      %dma_start3A_10 = tpu.memref_slice %arg10[%mul3A_3, %dma_start3A] : memref<10240x16xf32, #tpu.memory_space<vmem_shared>> -> memref<640x16xf32, #tpu.memory_space<vmem_shared>>
      %dma_start3A_11 = arith.constant 0 : i32
      %dma_start3A_12 = tpu.memref_slice %arg4[%mul3A_3, %dma_start3A_11] : memref<10240x16xf32, #tpu.memory_space<hbm>> -> memref<640x16xf32, #tpu.memory_space<hbm>>
      tpu.enqueue_dma source(%dma_start3A_12 : memref<640x16xf32, #tpu.memory_space<hbm>>) target(%dma_start3A_10 : memref<640x16xf32, #tpu.memory_space<vmem_shared>>) target_semaphore(%run_scoped3A_9 : memref<!tpu.dma_semaphore, #tpu.memory_space<semaphore_mem>>)
      %dma_wait3A = arith.constant 0 : i32
      %dma_wait3A_13 = tpu.memref_slice %arg10[%mul3A_3, %dma_wait3A] : memref<10240x16xf32, #tpu.memory_space<vmem_shared>> -> memref<640x16xf32, #tpu.memory_space<vmem_shared>>
      %dma_wait3A_14 = arith.constant 0 : i32
      %dma_wait3A_15 = tpu.memref_slice %arg4[%mul3A_3, %dma_wait3A_14] : memref<10240x16xf32, #tpu.memory_space<hbm>> -> memref<640x16xf32, #tpu.memory_space<hbm>>
      tpu.wait_dma2 semaphore(%run_scoped3A_9 : memref<!tpu.dma_semaphore, #tpu.memory_space<semaphore_mem>>) src(%dma_wait3A_15 : memref<640x16xf32, #tpu.memory_space<hbm>>) dst(%dma_wait3A_13 : memref<640x16xf32, #tpu.memory_space<vmem_shared>>)
      tpu.yield
    }) : () -> ()
    "tpu.region"() ({
      %run_scoped3A_9 = tpu.sem_alloc : memref<!tpu.dma_semaphore, #tpu.memory_space<semaphore_mem>>
      %dma_start3A = arith.constant 0 : i32
      %dma_start3A_10 = tpu.memref_slice %arg11[%mul3A_3, %dma_start3A] : memref<10240x16xf32, #tpu.memory_space<vmem_shared>> -> memref<640x16xf32, #tpu.memory_space<vmem_shared>>
      %dma_start3A_11 = arith.constant 0 : i32
      %dma_start3A_12 = tpu.memref_slice %arg4[%mul3A_3, %dma_start3A_11] : memref<10240x16xf32, #tpu.memory_space<hbm>> -> memref<640x16xf32, #tpu.memory_space<hbm>>
      tpu.enqueue_dma source(%dma_start3A_12 : memref<640x16xf32, #tpu.memory_space<hbm>>) target(%dma_start3A_10 : memref<640x16xf32, #tpu.memory_space<vmem_shared>>) target_semaphore(%run_scoped3A_9 : memref<!tpu.dma_semaphore, #tpu.memory_space<semaphore_mem>>)
      %dma_wait3A = arith.constant 0 : i32
      %dma_wait3A_13 = tpu.memref_slice %arg11[%mul3A_3, %dma_wait3A] : memref<10240x16xf32, #tpu.memory_space<vmem_shared>> -> memref<640x16xf32, #tpu.memory_space<vmem_shared>>
      %dma_wait3A_14 = arith.constant 0 : i32
      %dma_wait3A_15 = tpu.memref_slice %arg4[%mul3A_3, %dma_wait3A_14] : memref<10240x16xf32, #tpu.memory_space<hbm>> -> memref<640x16xf32, #tpu.memory_space<hbm>>
      tpu.wait_dma2 semaphore(%run_scoped3A_9 : memref<!tpu.dma_semaphore, #tpu.memory_space<semaphore_mem>>) src(%dma_wait3A_15 : memref<640x16xf32, #tpu.memory_space<hbm>>) dst(%dma_wait3A_13 : memref<640x16xf32, #tpu.memory_space<vmem_shared>>)
      tpu.yield
    }) : () -> ()
    %barrier3A = arith.constant 0 : index
    tpu.barrier barrier_id(%barrier3A)
    %scan3A = arith.constant 0 : i32
    %scan3A_4 = arith.constant 16 : i32
    %scan3A_5 = arith.addi %scan3A, %scan3A_4 : i32
    %scan3A_6 = arith.constant 1 : i32
    scf.for %scan3A_9 = %scan3A to %scan3A_5 step %scan3A_6  : i32 {
      %mul3A_10 = arith.constant 1 : i32
      %mul3A_11 = arith.muli %scan3A_9, %mul3A_10 : i32
      %add3A_12 = arith.constant 0 : i32
      %add3A_13 = arith.addi %add3A_12, %mul3A_11 : i32
      "tpu.region"() ({
        %run_scoped3A_14 = tpu.sem_alloc : memref<!tpu.dma_semaphore, #tpu.memory_space<semaphore_mem>>
        %dma_start3A = arith.constant 0 : i32
        %dma_start3A_15 = tpu.memref_slice %arg7[%add3A_13, %dma_start3A] : memref<16x625xi32, #tpu.memory_space<vmem>> -> memref<1x625xi32, #tpu.memory_space<vmem>>
        %dma_start3A_16 = tpu.memref_squeeze %dma_start3A_15 : memref<1x625xi32, #tpu.memory_space<vmem>> -> memref<625xi32, #tpu.memory_space<vmem>>
        %dma_start3A_17 = arith.constant 0 : i32
        %dma_start3A_18 = arith.constant 0 : i32
        %dma_start3A_19 = tpu.memref_slice %arg10[%dma_start3A_17, %dma_start3A_18] : memref<10240x16xf32, #tpu.memory_space<vmem_shared>> -> memref<10240x16xf32, #tpu.memory_space<vmem_shared>>
        tpu.enqueue_indirect_dma source(%arg9 : memref<625x16xf32, #tpu.memory_space<vmem>>) target(%dma_start3A_19 : memref<10240x16xf32, #tpu.memory_space<vmem_shared>>) offsets(%dma_start3A_16 : memref<625xi32, #tpu.memory_space<vmem>>) semaphore(%run_scoped3A_14 : memref<!tpu.dma_semaphore, #tpu.memory_space<semaphore_mem>>) {add = true}
        %dma_wait3A = arith.constant 0 : i32
        %dma_wait3A_20 = tpu.memref_slice %arg7[%add3A_13, %dma_wait3A] : memref<16x625xi32, #tpu.memory_space<vmem>> -> memref<1x625xi32, #tpu.memory_space<vmem>>
        %dma_wait3A_21 = tpu.memref_squeeze %dma_wait3A_20 : memref<1x625xi32, #tpu.memory_space<vmem>> -> memref<625xi32, #tpu.memory_space<vmem>>
        %dma_wait3A_22 = arith.constant 0 : i32
        %dma_wait3A_23 = arith.constant 0 : i32
        %dma_wait3A_24 = tpu.memref_slice %arg10[%dma_wait3A_22, %dma_wait3A_23] : memref<10240x16xf32, #tpu.memory_space<vmem_shared>> -> memref<10240x16xf32, #tpu.memory_space<vmem_shared>>
        tpu.wait_indirect_dma semaphore(%run_scoped3A_14 : memref<!tpu.dma_semaphore, #tpu.memory_space<semaphore_mem>>) src(%arg9 : memref<625x16xf32, #tpu.memory_space<vmem>>) dst(%dma_wait3A_24 : memref<10240x16xf32, #tpu.memory_space<vmem_shared>>)
        tpu.yield
      }) : () -> ()
      "tpu.region"() ({
        %run_scoped3A_14 = tpu.sem_alloc : memref<!tpu.dma_semaphore, #tpu.memory_space<semaphore_mem>>
        %dma_start3A = arith.constant 0 : i32
        %dma_start3A_15 = tpu.memref_slice %arg8[%add3A_13, %dma_start3A] : memref<16x625xi32, #tpu.memory_space<vmem>> -> memref<1x625xi32, #tpu.memory_space<vmem>>
        %dma_start3A_16 = tpu.memref_squeeze %dma_start3A_15 : memref<1x625xi32, #tpu.memory_space<vmem>> -> memref<625xi32, #tpu.memory_space<vmem>>
        %dma_start3A_17 = arith.constant 0 : i32
        %dma_start3A_18 = arith.constant 0 : i32
        %dma_start3A_19 = tpu.memref_slice %arg11[%dma_start3A_17, %dma_start3A_18] : memref<10240x16xf32, #tpu.memory_space<vmem_shared>> -> memref<10240x16xf32, #tpu.memory_space<vmem_shared>>
        tpu.enqueue_indirect_dma source(%arg9 : memref<625x16xf32, #tpu.memory_space<vmem>>) target(%dma_start3A_19 : memref<10240x16xf32, #tpu.memory_space<vmem_shared>>) offsets(%dma_start3A_16 : memref<625xi32, #tpu.memory_space<vmem>>) semaphore(%run_scoped3A_14 : memref<!tpu.dma_semaphore, #tpu.memory_space<semaphore_mem>>) {add = true}
        %dma_wait3A = arith.constant 0 : i32
        %dma_wait3A_20 = tpu.memref_slice %arg8[%add3A_13, %dma_wait3A] : memref<16x625xi32, #tpu.memory_space<vmem>> -> memref<1x625xi32, #tpu.memory_space<vmem>>
        %dma_wait3A_21 = tpu.memref_squeeze %dma_wait3A_20 : memref<1x625xi32, #tpu.memory_space<vmem>> -> memref<625xi32, #tpu.memory_space<vmem>>
        %dma_wait3A_22 = arith.constant 0 : i32
        %dma_wait3A_23 = arith.constant 0 : i32
        %dma_wait3A_24 = tpu.memref_slice %arg11[%dma_wait3A_22, %dma_wait3A_23] : memref<10240x16xf32, #tpu.memory_space<vmem_shared>> -> memref<10240x16xf32, #tpu.memory_space<vmem_shared>>
        tpu.wait_indirect_dma semaphore(%run_scoped3A_14 : memref<!tpu.dma_semaphore, #tpu.memory_space<semaphore_mem>>) src(%arg9 : memref<625x16xf32, #tpu.memory_space<vmem>>) dst(%dma_wait3A_24 : memref<10240x16xf32, #tpu.memory_space<vmem_shared>>)
        tpu.yield
      }) : () -> ()
    }
    %scan3A_7 = arith.constant 16 : i32
    %barrier3A_8 = arith.constant 0 : index
    tpu.barrier barrier_id(%barrier3A_8)
    "tpu.region"() ({
      %run_scoped3A_9 = tpu.sem_alloc : memref<!tpu.dma_semaphore, #tpu.memory_space<semaphore_mem>>
      %dma_start3A = arith.constant 0 : i32
      %dma_start3A_10 = tpu.memref_slice %arg5[%arg0, %mul3A_3, %dma_start3A] : memref<2x10240x16xf32, #tpu.memory_space<hbm>> -> memref<1x640x16xf32, #tpu.memory_space<hbm>>
      %dma_start3A_11 = tpu.memref_squeeze %dma_start3A_10 : memref<1x640x16xf32, #tpu.memory_space<hbm>> -> memref<640x16xf32, #tpu.memory_space<hbm>>
      %dma_start3A_12 = arith.constant 0 : i32
      %dma_start3A_13 = tpu.memref_slice %arg10[%mul3A_3, %dma_start3A_12] : memref<10240x16xf32, #tpu.memory_space<vmem_shared>> -> memref<640x16xf32, #tpu.memory_space<vmem_shared>>
      tpu.enqueue_dma source(%dma_start3A_13 : memref<640x16xf32, #tpu.memory_space<vmem_shared>>) target(%dma_start3A_11 : memref<640x16xf32, #tpu.memory_space<hbm>>) target_semaphore(%run_scoped3A_9 : memref<!tpu.dma_semaphore, #tpu.memory_space<semaphore_mem>>)
      %dma_wait3A = arith.constant 0 : i32
      %dma_wait3A_14 = tpu.memref_slice %arg5[%arg0, %mul3A_3, %dma_wait3A] : memref<2x10240x16xf32, #tpu.memory_space<hbm>> -> memref<1x640x16xf32, #tpu.memory_space<hbm>>
      %dma_wait3A_15 = tpu.memref_squeeze %dma_wait3A_14 : memref<1x640x16xf32, #tpu.memory_space<hbm>> -> memref<640x16xf32, #tpu.memory_space<hbm>>
      %dma_wait3A_16 = arith.constant 0 : i32
      %dma_wait3A_17 = tpu.memref_slice %arg10[%mul3A_3, %dma_wait3A_16] : memref<10240x16xf32, #tpu.memory_space<vmem_shared>> -> memref<640x16xf32, #tpu.memory_space<vmem_shared>>
      tpu.wait_dma2 semaphore(%run_scoped3A_9 : memref<!tpu.dma_semaphore, #tpu.memory_space<semaphore_mem>>) src(%dma_wait3A_17 : memref<640x16xf32, #tpu.memory_space<vmem_shared>>) dst(%dma_wait3A_15 : memref<640x16xf32, #tpu.memory_space<hbm>>)
      tpu.yield
    }) : () -> ()
    "tpu.region"() ({
      %run_scoped3A_9 = tpu.sem_alloc : memref<!tpu.dma_semaphore, #tpu.memory_space<semaphore_mem>>
      %dma_start3A = arith.constant 0 : i32
      %dma_start3A_10 = tpu.memref_slice %arg6[%arg0, %mul3A_3, %dma_start3A] : memref<2x10240x16xf32, #tpu.memory_space<hbm>> -> memref<1x640x16xf32, #tpu.memory_space<hbm>>
      %dma_start3A_11 = tpu.memref_squeeze %dma_start3A_10 : memref<1x640x16xf32, #tpu.memory_space<hbm>> -> memref<640x16xf32, #tpu.memory_space<hbm>>
      %dma_start3A_12 = arith.constant 0 : i32
      %dma_start3A_13 = tpu.memref_slice %arg11[%mul3A_3, %dma_start3A_12] : memref<10240x16xf32, #tpu.memory_space<vmem_shared>> -> memref<640x16xf32, #tpu.memory_space<vmem_shared>>
      tpu.enqueue_dma source(%dma_start3A_13 : memref<640x16xf32, #tpu.memory_space<vmem_shared>>) target(%dma_start3A_11 : memref<640x16xf32, #tpu.memory_space<hbm>>) target_semaphore(%run_scoped3A_9 : memref<!tpu.dma_semaphore, #tpu.memory_space<semaphore_mem>>)
      %dma_wait3A = arith.constant 0 : i32
      %dma_wait3A_14 = tpu.memref_slice %arg6[%arg0, %mul3A_3, %dma_wait3A] : memref<2x10240x16xf32, #tpu.memory_space<hbm>> -> memref<1x640x16xf32, #tpu.memory_space<hbm>>
      %dma_wait3A_15 = tpu.memref_squeeze %dma_wait3A_14 : memref<1x640x16xf32, #tpu.memory_space<hbm>> -> memref<640x16xf32, #tpu.memory_space<hbm>>
      %dma_wait3A_16 = arith.constant 0 : i32
      %dma_wait3A_17 = tpu.memref_slice %arg11[%mul3A_3, %dma_wait3A_16] : memref<10240x16xf32, #tpu.memory_space<vmem_shared>> -> memref<640x16xf32, #tpu.memory_space<vmem_shared>>
      tpu.wait_dma2 semaphore(%run_scoped3A_9 : memref<!tpu.dma_semaphore, #tpu.memory_space<semaphore_mem>>) src(%dma_wait3A_17 : memref<640x16xf32, #tpu.memory_space<vmem_shared>>) dst(%dma_wait3A_15 : memref<640x16xf32, #tpu.memory_space<hbm>>)
      tpu.yield
    }) : () -> ()
    return
  }
}

module attributes {stable_mosaic.version = 14 : i64} {
  func.func @_tc1_body(%arg0: i32, %arg1: memref<1000x128xf32, #tpu.memory_space<vmem>>, %arg2: memref<500x128xf32, #tpu.memory_space<vmem>>, %arg3: memref<128x128xf32, #tpu.memory_space<vmem>>, %arg4: memref<2x1000x16xf32, #tpu.memory_space<vmem>>, %arg5: memref<2x1000x16xf32, #tpu.memory_space<vmem>>, %arg6: memref<1000x64xf32, #tpu.memory_space<vmem>>, %arg7: memref<1000x64xf32, #tpu.memory_space<vmem>>, %arg8: memref<1000x16xf32, #tpu.memory_space<vmem>>, %arg9: memref<1000x1xf32, #tpu.memory_space<vmem>>) attributes {dimension_semantics = [#tpu.dimension_semantics<arbitrary>], iteration_bounds = array<i64: 10>, scalar_prefetch = 0 : i64, scratch_operands = 0 : i64, tpu.core_type = #tpu.core_type<tc>, window_params = [{transform_indices = @transform_0, window_bounds = array<i64: 1000, 128>}, {pipeline_mode = #tpu.pipeline_mode<synchronous>, transform_indices = @transform_1, window_bounds = array<i64: 500, 128>}, {pipeline_mode = #tpu.pipeline_mode<synchronous>, transform_indices = @transform_2, window_bounds = array<i64: 128, 128>}, {transform_indices = @transform_3, window_bounds = array<i64: 2, 1000, 16>}, {transform_indices = @transform_4, window_bounds = array<i64: 2, 1000, 16>}, {transform_indices = @transform_5, window_bounds = array<i64: 1000, 64>}, {transform_indices = @transform_6, window_bounds = array<i64: 1000, 64>}, {transform_indices = @transform_7, window_bounds = array<i64: 1000, 16>}, {transform_indices = @transform_8, window_bounds = array<i64: 1000, 1>}]} {
    %get3A = arith.constant 0 : index
    %get3A_0 = arith.constant 0 : index
    %get3A_1 = vector.load %arg1[%get3A, %get3A_0] : memref<1000x128xf32, #tpu.memory_space<vmem>>, vector<500x128xf32>
    %get3A_2 = arith.constant 0 : index
    %get3A_3 = arith.constant 0 : index
    %get3A_4 = vector.load %arg2[%get3A_2, %get3A_3] : memref<500x128xf32, #tpu.memory_space<vmem>>, vector<500x128xf32>
    %concatenate3A = tpu.concatenate %get3A_1, %get3A_4 in 0 : vector<500x128xf32>, vector<500x128xf32> -> vector<1000x128xf32>
    %eq3A = arith.constant 9 : i32
    %eq3A_5 = arith.cmpi eq, %arg0, %eq3A : i32
    %get3A_6 = arith.constant 0 : index
    %get3A_7 = arith.constant 0 : index
    %get3A_8 = vector.load %arg1[%get3A_6, %get3A_7] : memref<1000x128xf32, #tpu.memory_space<vmem>>, vector<1000x128xf32>
    %select_n3A = arith.select %eq3A_5, %concatenate3A, %get3A_8 : vector<1000x128xf32>
    %get3A_9 = arith.constant 0 : index
    %get3A_10 = arith.constant 0 : index
    %get3A_11 = arith.constant 0 : index
    %get3A_12 = vector.load %arg4[%get3A_9, %get3A_10, %get3A_11] : memref<2x1000x16xf32, #tpu.memory_space<vmem>>, vector<1x1000x16xf32>
    %get3A_13 = vector.shape_cast %get3A_12 : vector<1x1000x16xf32> to vector<1000x16xf32>
    %get3A_14 = arith.constant 1 : index
    %get3A_15 = arith.constant 0 : index
    %get3A_16 = arith.constant 0 : index
    %get3A_17 = vector.load %arg4[%get3A_14, %get3A_15, %get3A_16] : memref<2x1000x16xf32, #tpu.memory_space<vmem>>, vector<1x1000x16xf32>
    %get3A_18 = vector.shape_cast %get3A_17 : vector<1x1000x16xf32> to vector<1000x16xf32>
    %add3A = arith.addf %get3A_13, %get3A_18 : vector<1000x16xf32>
    %slice3A = vector.extract_strided_slice %add3A {offsets = [0, 0], sizes = [1000, 1], strides = [1, 1]} : vector<1000x16xf32> to vector<1000x1xf32>
    %max3A = arith.constant 1.000000e+00 : f32
    %max3A_19 = vector.broadcast %max3A : f32 to vector<1000x1xf32>
    %max3A_20 = arith.maximumf %slice3A, %max3A_19 : vector<1000x1xf32>
    %rsqrt3A = math.rsqrt %max3A_20 : vector<1000x1xf32>
    %get3A_21 = arith.constant 0 : index
    %get3A_22 = arith.constant 0 : index
    %get3A_23 = arith.constant 0 : index
    %get3A_24 = vector.load %arg5[%get3A_21, %get3A_22, %get3A_23] : memref<2x1000x16xf32, #tpu.memory_space<vmem>>, vector<1x1000x16xf32>
    %get3A_25 = vector.shape_cast %get3A_24 : vector<1x1000x16xf32> to vector<1000x16xf32>
    %get3A_26 = arith.constant 1 : index
    %get3A_27 = arith.constant 0 : index
    %get3A_28 = arith.constant 0 : index
    %get3A_29 = vector.load %arg5[%get3A_26, %get3A_27, %get3A_28] : memref<2x1000x16xf32, #tpu.memory_space<vmem>>, vector<1x1000x16xf32>
    %get3A_30 = vector.shape_cast %get3A_29 : vector<1x1000x16xf32> to vector<1000x16xf32>
    %add3A_31 = arith.addf %get3A_25, %get3A_30 : vector<1000x16xf32>
    %slice3A_32 = vector.extract_strided_slice %add3A_31 {offsets = [0, 0], sizes = [1000, 1], strides = [1, 1]} : vector<1000x16xf32> to vector<1000x1xf32>
    %max3A_33 = arith.constant 1.000000e+00 : f32
    %max3A_34 = vector.broadcast %max3A_33 : f32 to vector<1000x1xf32>
    %max3A_35 = arith.maximumf %slice3A_32, %max3A_34 : vector<1000x1xf32>
    %rsqrt3A_36 = math.rsqrt %max3A_35 : vector<1000x1xf32>
    %get3A_37 = arith.constant 0 : index
    %get3A_38 = arith.constant 0 : index
    %get3A_39 = vector.load %arg3[%get3A_37, %get3A_38] : memref<128x128xf32, #tpu.memory_space<vmem>>, vector<128x128xf32>
    %dot_general3A = arith.constant dense<0.000000e+00> : vector<1000x128xf32>
    %dot_general3A_40 = tpu.matmul %select_n3A, %get3A_39, %dot_general3A {dimension_numbers = #tpu.dot_dimension_numbers<[1], [0], [0], [1], [0, 0, 1, 1], [], []>, transpose_lhs_hint = false} : vector<1000x128xf32>, vector<128x128xf32>, vector<1000x128xf32> -> vector<1000x128xf32>
    %mul3A = vector.broadcast %rsqrt3A : vector<1000x1xf32> to vector<1000x128xf32>
    %mul3A_41 = arith.mulf %dot_general3A_40, %mul3A : vector<1000x128xf32>
    %slice3A_42 = vector.extract_strided_slice %mul3A_41 {offsets = [0, 0], sizes = [1000, 64], strides = [1, 1]} : vector<1000x128xf32> to vector<1000x64xf32>
    %swap3A = arith.constant 0 : index
    %swap3A_43 = arith.constant 0 : index
    %swap3A_44 = vector.load %arg6[%swap3A, %swap3A_43] : memref<1000x64xf32, #tpu.memory_space<vmem>>, vector<1000x64xf32>
    tpu.vector_store %arg6[%swap3A, %swap3A_43], %slice3A_42 {strides = array<i32>} : memref<1000x64xf32, #tpu.memory_space<vmem>>, vector<1000x64xf32>,
    %slice3A_45 = vector.extract_strided_slice %mul3A_41 {offsets = [0, 64], sizes = [1000, 64], strides = [1, 1]} : vector<1000x128xf32> to vector<1000x64xf32>
    %swap3A_46 = arith.constant 0 : index
    %swap3A_47 = arith.constant 0 : index
    %swap3A_48 = vector.load %arg7[%swap3A_46, %swap3A_47] : memref<1000x64xf32, #tpu.memory_space<vmem>>, vector<1000x64xf32>
    tpu.vector_store %arg7[%swap3A_46, %swap3A_47], %slice3A_45 {strides = array<i32>} : memref<1000x64xf32, #tpu.memory_space<vmem>>, vector<1000x64xf32>,
    %broadcast_in_dim3A = vector.shape_cast %rsqrt3A_36 : vector<1000x1xf32> to vector<1000x1xf32>
    %broadcast_in_dim3A_49 = vector.broadcast %broadcast_in_dim3A : vector<1000x1xf32> to vector<1000x16xf32>
    %swap3A_50 = arith.constant 0 : index
    %swap3A_51 = arith.constant 0 : index
    %swap3A_52 = vector.load %arg8[%swap3A_50, %swap3A_51] : memref<1000x16xf32, #tpu.memory_space<vmem>>, vector<1000x16xf32>
    tpu.vector_store %arg8[%swap3A_50, %swap3A_51], %broadcast_in_dim3A_49 {strides = array<i32>} : memref<1000x16xf32, #tpu.memory_space<vmem>>, vector<1000x16xf32>,
    %swap3A_53 = arith.constant 0 : index
    %swap3A_54 = arith.constant 0 : index
    %swap3A_55 = vector.load %arg9[%swap3A_53, %swap3A_54] : memref<1000x1xf32, #tpu.memory_space<vmem>>, vector<1000x1xf32>
    tpu.vector_store %arg9[%swap3A_53, %swap3A_54], %rsqrt3A {strides = array<i32>} : memref<1000x1xf32, #tpu.memory_space<vmem>>, vector<1000x1xf32>,
    return
  }
  func.func @transform_0(%arg0: i32) -> (i32, i32) {
    %c0_i32 = arith.constant 0 : i32
    %c0_i32_0 = arith.constant 0 : i32
    return %arg0, %c0_i32 : i32, i32
  }
  func.func @transform_1(%arg0: i32) -> (i32, i32) {
    %c0_i32 = arith.constant 0 : i32
    %c0_i32_0 = arith.constant 0 : i32
    %c0_i32_1 = arith.constant 0 : i32
    return %c0_i32, %c0_i32_0 : i32, i32
  }
  func.func @transform_2(%arg0: i32) -> (i32, i32) {
    %c0_i32 = arith.constant 0 : i32
    %c0_i32_0 = arith.constant 0 : i32
    %c0_i32_1 = arith.constant 0 : i32
    return %c0_i32, %c0_i32_0 : i32, i32
  }
  func.func @transform_3(%arg0: i32) -> (i32, i32, i32) {
    %c0_i32 = arith.constant 0 : i32
    %c0_i32_0 = arith.constant 0 : i32
    %c0_i32_1 = arith.constant 0 : i32
    return %c0_i32, %arg0, %c0_i32_0 : i32, i32, i32
  }
  func.func @transform_4(%arg0: i32) -> (i32, i32, i32) {
    %c0_i32 = arith.constant 0 : i32
    %c0_i32_0 = arith.constant 0 : i32
    %c0_i32_1 = arith.constant 0 : i32
    return %c0_i32, %arg0, %c0_i32_0 : i32, i32, i32
  }
  func.func @transform_5(%arg0: i32) -> (i32, i32) {
    %c0_i32 = arith.constant 0 : i32
    %c0_i32_0 = arith.constant 0 : i32
    return %arg0, %c0_i32 : i32, i32
  }
  func.func @transform_6(%arg0: i32) -> (i32, i32) {
    %c0_i32 = arith.constant 0 : i32
    %c0_i32_0 = arith.constant 0 : i32
    return %arg0, %c0_i32 : i32, i32
  }
  func.func @transform_7(%arg0: i32) -> (i32, i32) {
    %c0_i32 = arith.constant 0 : i32
    %c0_i32_0 = arith.constant 0 : i32
    return %arg0, %c0_i32 : i32, i32
  }
  func.func @transform_8(%arg0: i32) -> (i32, i32) {
    %c0_i32 = arith.constant 0 : i32
    %c0_i32_0 = arith.constant 0 : i32
    return %arg0, %c0_i32 : i32, i32
  }
}

module attributes {stable_mosaic.version = 14 : i64} {
  func.func @_tc2_body(%arg0: i32, %arg1: memref<2x1000x128xf32, #tpu.memory_space<vmem>>, %arg2: memref<1000x16xf32, #tpu.memory_space<vmem>>, %arg3: memref<1x128xf32, #tpu.memory_space<vmem>>, %arg4: memref<128x16xf32, #tpu.memory_space<vmem>>, %arg5: memref<1000x1xf32, #tpu.memory_space<vmem>>, %arg6: memref<1000x16xf32, #tpu.memory_space<vmem>>) attributes {dimension_semantics = [#tpu.dimension_semantics<arbitrary>], iteration_bounds = array<i64: 10>, scalar_prefetch = 0 : i64, scratch_operands = 0 : i64, tpu.core_type = #tpu.core_type<tc>, window_params = [{transform_indices = @transform_0, window_bounds = array<i64: 2, 1000, 128>}, {transform_indices = @transform_1, window_bounds = array<i64: 1000, 16>}, {pipeline_mode = #tpu.pipeline_mode<synchronous>, transform_indices = @transform_2, window_bounds = array<i64: 1, 128>}, {pipeline_mode = #tpu.pipeline_mode<synchronous>, transform_indices = @transform_3, window_bounds = array<i64: 128, 16>}, {transform_indices = @transform_4, window_bounds = array<i64: 1000, 1>}, {transform_indices = @transform_5, window_bounds = array<i64: 1000, 16>}]} {
    %get3A = arith.constant 0 : index
    %get3A_0 = arith.constant 0 : index
    %get3A_1 = arith.constant 0 : index
    %get3A_2 = vector.load %arg1[%get3A, %get3A_0, %get3A_1] : memref<2x1000x128xf32, #tpu.memory_space<vmem>>, vector<1x1000x128xf32>
    %get3A_3 = vector.shape_cast %get3A_2 : vector<1x1000x128xf32> to vector<1000x128xf32>
    %get3A_4 = arith.constant 1 : index
    %get3A_5 = arith.constant 0 : index
    %get3A_6 = arith.constant 0 : index
    %get3A_7 = vector.load %arg1[%get3A_4, %get3A_5, %get3A_6] : memref<2x1000x128xf32, #tpu.memory_space<vmem>>, vector<1x1000x128xf32>
    %get3A_8 = vector.shape_cast %get3A_7 : vector<1x1000x128xf32> to vector<1000x128xf32>
    %add3A = arith.addf %get3A_3, %get3A_8 : vector<1000x128xf32>
    %get3A_9 = arith.constant 0 : index
    %get3A_10 = arith.constant 0 : index
    %get3A_11 = vector.load %arg2[%get3A_9, %get3A_10] : memref<1000x16xf32, #tpu.memory_space<vmem>>, vector<1000x1xf32>
    %mul3A = vector.broadcast %get3A_11 : vector<1000x1xf32> to vector<1000x128xf32>
    %mul3A_12 = arith.mulf %add3A, %mul3A : vector<1000x128xf32>
    %get3A_13 = arith.constant 0 : index
    %get3A_14 = arith.constant 0 : index
    %get3A_15 = vector.load %arg3[%get3A_13, %get3A_14] : memref<1x128xf32, #tpu.memory_space<vmem>>, vector<1x128xf32>
    %add3A_16 = vector.broadcast %get3A_15 : vector<1x128xf32> to vector<1000x128xf32>
    %add3A_17 = arith.addf %mul3A_12, %add3A_16 : vector<1000x128xf32>
    %max3A = arith.constant 0.000000e+00 : f32
    %max3A_18 = vector.broadcast %max3A : f32 to vector<1000x128xf32>
    %max3A_19 = arith.maximumf %add3A_17, %max3A_18 : vector<1000x128xf32>
    %get3A_20 = arith.constant 0 : index
    %get3A_21 = arith.constant 0 : index
    %get3A_22 = vector.load %arg4[%get3A_20, %get3A_21] : memref<128x16xf32, #tpu.memory_space<vmem>>, vector<128x16xf32>
    %dot_general3A = arith.constant dense<0.000000e+00> : vector<1000x16xf32>
    %dot_general3A_23 = tpu.matmul %max3A_19, %get3A_22, %dot_general3A {dimension_numbers = #tpu.dot_dimension_numbers<[1], [0], [0], [1], [0, 0, 1, 1], [], []>, transpose_lhs_hint = false} : vector<1000x128xf32>, vector<128x16xf32>, vector<1000x16xf32> -> vector<1000x16xf32>
    %get3A_24 = arith.constant 0 : index
    %get3A_25 = arith.constant 0 : index
    %get3A_26 = vector.load %arg5[%get3A_24, %get3A_25] : memref<1000x1xf32, #tpu.memory_space<vmem>>, vector<1000x1xf32>
    %mul3A_27 = vector.broadcast %get3A_26 : vector<1000x1xf32> to vector<1000x16xf32>
    %mul3A_28 = arith.mulf %dot_general3A_23, %mul3A_27 : vector<1000x16xf32>
    %swap3A = arith.constant 0 : index
    %swap3A_29 = arith.constant 0 : index
    %swap3A_30 = vector.load %arg6[%swap3A, %swap3A_29] : memref<1000x16xf32, #tpu.memory_space<vmem>>, vector<1000x16xf32>
    tpu.vector_store %arg6[%swap3A, %swap3A_29], %mul3A_28 {strides = array<i32>} : memref<1000x16xf32, #tpu.memory_space<vmem>>, vector<1000x16xf32>,
    return
  }
  func.func @transform_0(%arg0: i32) -> (i32, i32, i32) {
    %c0_i32 = arith.constant 0 : i32
    %c0_i32_0 = arith.constant 0 : i32
    %c0_i32_1 = arith.constant 0 : i32
    return %c0_i32, %arg0, %c0_i32_0 : i32, i32, i32
  }
  func.func @transform_1(%arg0: i32) -> (i32, i32) {
    %c0_i32 = arith.constant 0 : i32
    %c0_i32_0 = arith.constant 0 : i32
    return %arg0, %c0_i32 : i32, i32
  }
  func.func @transform_2(%arg0: i32) -> (i32, i32) {
    %c0_i32 = arith.constant 0 : i32
    %c0_i32_0 = arith.constant 0 : i32
    %c0_i32_1 = arith.constant 0 : i32
    return %c0_i32, %c0_i32_0 : i32, i32
  }
  func.func @transform_3(%arg0: i32) -> (i32, i32) {
    %c0_i32 = arith.constant 0 : i32
    %c0_i32_0 = arith.constant 0 : i32
    %c0_i32_1 = arith.constant 0 : i32
    return %c0_i32, %c0_i32_0 : i32, i32
  }
  func.func @transform_4(%arg0: i32) -> (i32, i32) {
    %c0_i32 = arith.constant 0 : i32
    %c0_i32_0 = arith.constant 0 : i32
    return %arg0, %c0_i32 : i32, i32
  }
  func.func @transform_5(%arg0: i32) -> (i32, i32) {
    %c0_i32 = arith.constant 0 : i32
    %c0_i32_0 = arith.constant 0 : i32
    return %arg0, %c0_i32 : i32, i32
  }
}

</mosaic_0001>

<sc_bundles>
// kernel: kernel.10.cloned.1.call-start
scs
__scs_entry_jumppad:
0x0: {  	(pc) =	sbr.rel $0x88, $3  }
0x1: {  	(tag) =	ssettag $0x0;
	lr =	simm.s32 $0x1  }
0x2: {  	[smem:$0x3F9A] =	sst lr;
	_ =	strace $0xD0000000  }
0x3: {  	_ = 	snop  }
0x4: {  	_ = 	snop  }
0x5: {  	_ = 	snop  }
0x6: {  	_ = 	snop  }
0x7: {  	_ = 	snop  }
__scs_overlays_trampoline_lowered:
0x8: {  	[smem:$0x3FA9] =	sst s0  }
0x9: {  	[smem:$0x3FAA] =	sst s1  }
0xa: {  	[smem:$0x3FAB] =	sst s2  }
0xb: {  	[smem:$0x3FAC] =	sst s3  }
0xc: {  	[smem:$0x3FAD] =	sst s4  }
0xd: {  	[smem:$0x3FAE] =	sst s5  }
0xe: {  	[smem:$0x3FAF] =	sst s6  }
0xf: {  	[smem:$0x3FB0] =	sst s7  }
0x10: {  	[smem:$0x3FB1] =	sst s8  }
0x11: {  	[smem:$0x3FB2] =	sst s9;
	s0 =	simm.s32 @!p0 $0x0  }
0x12: {  	s1 =	sld [smem:$0x3F98];
	s0 =	simm.s32 @p0 $0x1  }
0x13: {  	[smem:$0x3FB3] =	sst s0;
	s0 =	simm.s32 @!p1 $0x0  }
0x14: {  	s2 =	sld [smem:$0x3F97];
	s0 =	simm.s32 @p1 $0x1  }
0x15: {  	[smem:$0x3FB4] =	sst s0;
	s0 =	simm.s32 @!p2 $0x0  }
0x16: {  	s3 =	sld [smem:$0x3FDB];
	s0 =	simm.s32 @p2 $0x1  }
0x17: {  	s4 =	simm.s32 $0x1BF5;
	[smem:$0x3FB6] =	sst s0  }
0x18: {  	s0 =	sld [smem:$0x3F99];
	_ =	swait.ge [sflag:s4], $0x0  }
0x19: {  	s7 =	sld [smem:$0x3F9A]  }
0x1a: {  	s8 =	sadd.s32 $0xFFFFE003, lr  }
0x1b: {  	s9 =	sadd.s32 $0xFFFFFEF7, lr;
	s5 =	simm.s32 $0xFFFFFFFF;
	p2 =	slt.u32 s8, $0xFFFFF086  }
0x1c: {  	p1 =	slt.u32 s9, $0xF7A;
	s5 =	simm.s32 @!p2 $0x0  }
0x1d: {  	s5 =	simm.s32 @p1 $0x1;
	p0 =	seq.s32 s7, s2  }
0x1e: {  	s7 =	smul.u32 @!p0 $0xF7A, s2;
	p2 =	seq.s32 @!p0 s5, $0x0  }
0x1f: {  	s9 =	smul.u32 $0xF7A, s1;
	s8 =	simm.s32 @!p0 $0x1BF5;
	p2 =	por !p2, p0  }
0x20: {  	[sflag:s8] =	ssyncset.s32 @!p0 $0xFFFFF086;
	s6 =	sadd.s32 @!p0 s3, s7;
	s7 =	simm.s32 @!p0 $0x108  }
0x21: {  	s3 =	sadd.s32 s3, s9;
	s6 =	sadd.s32 @!p0 $0x88, s6;
	s7 =	simm.s32 @p2 $0x1082  }
0x22: {  	[simem:s7], [sflag:s8] =	dma.local @!p0 [hbm:s6], $0xF7A  }
0x23: {  	s9 =	sor.u32 $0xD0000000, s2;
	s6 =	simm.s32 $0x108;
	_ =	swait.ge @!p0 [sflag:s8], $0x0  }
0x24: {  	s3 =	sadd.s32 $0x88, s3;
	s6 =	simm.s32 @!p1 $0x1082;
	[sflag:s4] =	ssyncset.s32 $0xFFFFF086  }
0x25: {  	[simem:s6], [sflag:s4] =	dma.local [hbm:s3], $0xF7A  }
0x26: {  	[smem:$0x3F9A] =	sst s1;
	(tag) =	ssettag s2;
	_ =	strace s9  }
0x27: {  	s1 =	sld [smem:$0x3FAA]  }
0x28: {  	s2 =	sld [smem:$0x3FAB]  }
0x29: {  	s4 =	sld [smem:$0x3FAD]  }
0x2a: {  	p0 =	seq.s32 s5, $0x0;
	s5 =	sld [smem:$0x3FAE]  }
0x2b: {  	s6 =	sld [smem:$0x3FAF]  }
0x2c: {  	s7 =	sld [smem:$0x3FB0]  }
0x2d: {  	s3 =	simm.s32 $0x108;
	s8 =	sld [smem:$0x3FB1]  }
0x2e: {  	s3 =	simm.s32 @!p0 $0x1082;
	s9 =	sld [smem:$0x3FB2]  }
0x2f: {  	lr =	sadd.s32 s0, s3;
	s0 =	sld [smem:$0x3FA9]  }
0x30: {  	s3 =	sld [smem:$0x3FAC]  }
0x31: {  	[smem:$0x3FB5] =	sst s10  }
0x32: {  	s10 =	sld [smem:$0x3FB3];
	_ =	sdelay $0x3  }
0x33: {  	p0 =	seq.s32 s10, $0x1;
	s10 =	sld [smem:$0x3FB5];
	_ =	sdelay $0x3  }
0x34: {  	[smem:$0x3FB5] =	sst s10  }
0x35: {  	s10 =	sld [smem:$0x3FB4];
	_ =	sdelay $0x3  }
0x36: {  	p1 =	seq.s32 s10, $0x1;
	s10 =	sld [smem:$0x3FB5];
	_ =	sdelay $0x3  }
0x37: {  	[smem:$0x3FB5] =	sst s10  }
0x38: {  	s10 =	sld [smem:$0x3FB6]  }
0x39: {  	_ = 	snop;
	(pc) =	sbr.ind lr, $3  }
0x3a: {  	_ = 	snop  }
0x3b: {  	_ = 	snop  }
0x3c: {  	p2 =	seq.s32 s10, $0x1;
	s10 =	sld [smem:$0x3FB5]  }
0x3d: {  	_ =	shalt  }
0x3e: {  	_ =	shalt  }
0x3f: {  	_ =	shalt  }
0x40: {  	_ =	shalt  }
0x41: {  	_ =	shalt  }
0x42: {  	_ =	shalt  }
0x43: {  	_ =	shalt  }
0x44: {  	_ =	shalt  }
0x45: {  	_ =	shalt  }
0x46: {  	_ =	shalt  }
0x47: {  	_ =	shalt  }
0x48: {  	_ =	shalt  }
0x49: {  	_ =	shalt  }
0x4a: {  	_ =	shalt  }
0x4b: {  	_ =	shalt  }
0x4c: {  	_ =	shalt  }
0x4d: {  	_ =	shalt  }
0x4e: {  	_ =	shalt  }
0x4f: {  	_ =	shalt  }
0x50: {  	_ =	shalt  }
0x51: {  	_ =	shalt  }
0x52: {  	_ =	shalt  }
0x53: {  	_ =	shalt  }
0x54: {  	_ =	shalt  }
0x55: {  	_ =	shalt  }
0x56: {  	_ =	shalt  }
0x57: {  	_ =	shalt  }
0x58: {  	_ =	shalt  }
0x59: {  	_ =	shalt  }
0x5a: {  	_ =	shalt  }
0x5b: {  	_ =	shalt  }
0x5c: {  	_ =	shalt  }
0x5d: {  	_ =	shalt  }
0x5e: {  	_ =	shalt  }
0x5f: {  	_ =	shalt  }
0x60: {  	_ =	shalt  }
0x61: {  	_ =	shalt  }
0x62: {  	_ =	shalt  }
0x63: {  	_ =	shalt  }
0x64: {  	_ =	shalt  }
0x65: {  	_ =	shalt  }
0x66: {  	_ =	shalt  }
0x67: {  	_ =	shalt  }
0x68: {  	_ =	shalt  }
0x69: {  	_ =	shalt  }
0x6a: {  	_ =	shalt  }
0x6b: {  	_ =	shalt  }
0x6c: {  	_ =	shalt  }
0x6d: {  	_ =	shalt  }
0x6e: {  	_ =	shalt  }
0x6f: {  	_ =	shalt  }
0x70: {  	_ =	shalt  }
0x71: {  	_ =	shalt  }
0x72: {  	_ =	shalt  }
0x73: {  	_ =	shalt  }
0x74: {  	_ =	shalt  }
0x75: {  	_ =	shalt  }
0x76: {  	_ =	shalt  }
0x77: {  	_ =	shalt  }
0x78: {  	_ =	shalt  }
0x79: {  	_ =	shalt  }
0x7a: {  	_ =	shalt  }
0x7b: {  	_ =	shalt  }
0x7c: {  	_ =	shalt  }
0x7d: {  	_ =	shalt  }
0x7e: {  	_ =	shalt  }
0x7f: {  	_ =	shalt  }
0x80: {  	_ =	shalt  }
0x81: {  	_ =	shalt  }
0x82: {  	_ =	shalt  }
0x83: {  	_ =	shalt  }
0x84: {  	_ =	shalt  }
0x85: {  	_ =	shalt  }
0x86: {  	_ =	shalt  }
0x87: {  	_ =	shalt  }
.Lfunc_end0:
.L_simem_size_0:
called_computation.1_lowered:
.L_overlay_start_0:
0x88: {  	s2 =	sld [smem:$0x3FD9]  }
0x89: {  	s3 =	sld [smem:$0x3FFE];
	_ =	sdelay $0x1  }
0x8a: {  	s1 =	srdreg.scid  }
0x8b: {  	s0 =	sand.u32 $0x1, s1  }
0x8c: {  	s16 =	sshll.u32 s0, $0xA;
	s2 =	sadd.s32 s3, s2  }
0x8d: {  	s2 =	sadd.s32 s2, s16  }
0x8e: {  	[smem:$0x3FC1] =	sst s2  }
0x8f: {  	_ = 	snop  }
0x90: {  	(tm) =	ssettm $0x1  }
0x91: {  	s17 =	sld [smem:$0x3FFB];
	_ =	sdelay $0x3  }
0x92: {  	_ =	strace s17  }
0x93: {  	s2 =	sld [smem:$0x3FFC];
	_ =	sdelay $0x3  }
0x94: {  	_ =	strace s2  }
0x95: {  	s2 =	sld [smem:$0x3FFD];
	_ =	sdelay $0x3  }
0x96: {  	_ =	strace s2  }
0x97: {  	_ =	strace $0x8FFFFFFF  }
0x98: {  	s18 =	sld [smem:$0x3FDB];
	_ =	sdelay $0x1  }
0x99: {  	s19 =	simm.s32 $_scs_section_size  }
0x9a: {  	s4 =	simm.s32 $_size__tile_overlayer_lowered;
	s5 =	simm.s32 $_tile_overlayer_lowered  }
0x9b: {  	s22 =	simm.s32 $0x1BFF;
	s21 =	sshll.u32 s5, $0x1;
	s2 =	sadd.s32 s19, s18  }
0x9c: {  	s6 =	simm.s32 $0x0;
	s20 =	sshll.u32 s4, $0x1;
	s4 =	sadd.s32 s21, s2  }
0x9d: {  	[timem:s6], [sflag:s22] =	dma.local [hbm:s4], s20  }
0x9e: {  	_ =	swait.ge [sflag:s22], s20  }
0x9f: {  	s3 =	ssub.s32 $0x0, s20;
	[sflag:s22] =	ssyncset.done $0x0  }
0xa0: {  	[sflag:s22] =	ssyncadd.s32 s3;
	_ =	sdelay $0x1  }
0xa1: {  	s23 =	simm.s32 $0x1B8B  }
0xa2: {  	_ =	swait.ge [sflag:s23], $0x1  }
0xa3: {  	[sflag:s23] =	ssyncset.done $0x0  }
0xa4: {  	s25 =	simm.s32 $0x1B8E;
	s24 =	sld [smem:$0x3FFE];
	[sflag:s23] =	ssyncadd.s32 $0xFFFFFFFF  }
0xa5: {  	s26 =	simm.s32 $execute0_lowered;
	[smem:$0x3FD2] =	sst s25  }
0xa6: {  	s4 =	sshll.u32 s26, $0x1;
	_ =	strace $0x80000049;
	[dreg:$0x1] =	wrdreg $0xFFFFFFFF  }
0xa7: {  	s28 =	simm.s32 $_size_execute0_lowered;
	s2 =	sadd.s32 s2, s4;
	[dreg:$0x0] =	wrdreg $0x0  }
0xa8: {  	s4 =	sshll.u32 s28, $0x1;
	[dreg:$0x2] =	wrdreg s2  }
0xa9: {  	[dreg:$0x3] =	wrdreg s4  }
0xaa: {  	[dreg:$0x4] =	wrdreg $0xC0  }
0xab: {  	_ =	task [dreg:s6], $0x5FFFF  }
0xac: {  	[dreg:$0x1] =	wrdreg $0xFFFFFFFF  }
0xad: {  	[dreg:$0x0] =	wrdreg $0x60  }
0xae: {  	[dreg:$0x2] =	wrdreg s24  }
0xaf: {  	[dreg:$0x3] =	wrdreg $0xCD000  }
0xb0: {  	[dreg:$0x4] =	wrdreg $0x9  }
0xb1: {  	_ =	task.clear_ibuf [dreg:s6], $0x5FFFF;
	_ =	strace $0x90000049  }
0xb2: {  	s29 =	simm.s32 $0x9;
	_ =	strace $0x8000004B  }
0xb3: {  	_ =	swait.ge [sflag:s29], $0x1  }
0xb4: {  	[sflag:s29] =	ssyncadd.s32 $0xFFFFFFFF  }
0xb5: {  	_ =	strace $0x9000004B  }
0xb6: {  	_ =	sfence  }
0xb7: {  	s30 =	sld [smem:$0x0];
	_ =	sdelay $0x2  }
0xb8: {  	s31 =	sshll.u32 s1, $0xD;
	s1 =	sshrl.u32 s1, $0x2  }
0xb9: {  	s3 =	sand.u32 $0x4000, s31;
	s1 =	sadd.s32 s1, s30  }
0xba: {  	s0 =	sor.u32 s3, s0;
	s1 =	sshll.u32 s1, $0x11  }
0xbb: {  	s0 =	sor.u32 s1, s0  }
0xbc: {  	s0 =	sadd.s32 $0x8F2B, s0  }
0xbd: {  	[sflag:s0] =	ssyncadd.remote.s32 $0x1  }
0xbe: {  	_ =	sfence.sel $0xFFFF  }
0xbf: {  	[dreg:$0x0] =	wrdreg $0xFFFFFFFF;
	(pc) =	sbr.abs _section_cstart, $3  }
0xc0: {  	[dreg:$0x1] =	wrdreg $0xFFFFFFFF  }
0xc1: {  	_ =	task.clear_ibuf [dreg:s6], $0x2FFFF;
	_ =	strace $0x9FFFFFFF  }
0xc2: {  	(tm) =	ssettm $0x7FFFFFFF  }
0xc3: {  	_ =	shalt  }
tec
execute0_lowered:
.L_overlay_start_1:
0x0: {  	(tag) =	ssettag $0x1  }
0x1: {  	s7 =	rddreg [dreg:$0x0]  }
0x2: {  	s0 =	srdreg.scid;
	s2 =	rddreg [dreg:$0x1];
	s3 =	simm.s32 $0x0  }
0x3: {  	s16 =	simm.s32 $0xFA;
	s17 =	simm.s32 $0x5000;
	s18 =	simm.s32 $0x8E80  }
0x4: {  	s19 =	simm.s32 $0x1;
	s20 =	simm.s32 $0x2;
	s21 =	simm.s32 $0x2700  }
0x5: {  	s22 =	simm.s32 $0x4E00;
	s23 =	simm.s32 $0x4F00;
	s24 =	simm.s32 $0x10  }
0x6: {  	s25 =	simm.s32 $0x8;
	s6 =	sand.u32 $0x1, s0;
	s0 =	stileid.u32  }
0x7: {  	s26 =	simm.s32 $0x0;
	[smem:$0x7FF] =	sst s3;
	s8 =	smul.u32 $0x140000, s6  }
0x8: {  	s1 =	sshll.u32 s6, $0x4;
	_ =	strace $0x8000004A;
	s9 =	smul.u32 $0x14000, s0  }
0x9: {  	s11 =	smul.u32 $0xA000, s0;
	s6 =	ssub.s32 $0x2, s6;
	s14 =	sshll.u32 s0, $0x6  }
0xa: {  	s4 =	sor.u32 s0, s1;
	s31 =	sshrl.u32 s6, $0x1;
	s14 =	sor.u32 $0x1C03, s14  }
0xb: {  	s5 =	smul.u32 $0x2800, s4;
	s4 =	sadd.s32 $0x43A00, s7;
	s8 =	sadd.s32 s9, s8  }
0xc: {  	s30 =	sshrl.u32 s11, $0x3;
	s13 =	ssub.s32 s6, s31;
	s15 =	sadd.s32 s11, s2  }
0xd: {  	s8 =	sshrl.u32 s8, $0x3;
	s9 =	sadd.s32 s30, s7;
	s11 =	smax.u32 s13, $0x1  }
0xe: {  	s13 =	simm.s32 $0x2800;
	s15 =	sshrl.u32 s15, $0x3;
	s10 =	sshrl.u32 s5, $0x3  }
0xf: {  	s5 =	sadd.s32 $0x1BA00, s7;
	s12 =	sadd.s32 s8, s7;
	s10 =	sadd.s32 s10, s7  }
0x10: {  	s8 =	sadd.s32 $0x57400, s9;
	s9 =	sadd.s32 $0x6B400, s12;
	s6 =	sadd.s32 $0x2FA00, s10  }
0x11: {  	s7 =	sadd.s32 $0x39A00, s10;
	s10 =	sadd.s32 $0x6B408, s12;
	s12 =	simm.s32 $0x3  }
.LBB2_1:
0x12: {  	[tilespmem:s3], [sflag:$0x3] =	stream.linear.gather [hbm4b:s6+s3], $0x2800, $0x38;
	[tilespmem:$0x16D00] =	vst v63  }
0x13: {  	_ =	swait.ge [sflag:s12], $0x2800  }
0x14: {  	[sflag:s12] =	ssyncset.done $0x0  }
0x15: {  	[sflag:s12] =	ssyncadd.s32 $0xFFFFD800  }
0x16: {  	[tilespmem:s13], [sflag:$0x3] =	stream.linear.gather [hbm4b:s7+s3], $0x2800, $0x38;
	[tilespmem:$0x16D00] =	vst v63  }
0x17: {  	_ =	swait.ge [sflag:s12], $0x2800  }
0x18: {  	[sflag:s12] =	ssyncset.done $0x0  }
0x19: {  	[sflag:s12] =	ssyncadd.s32 $0xFFFFD800  }
0x1a: {  	[spmem:s15], [sflag:s14] =	dma.local [hbm:s8], $0x1400  }
0x1b: {  	_ =	swait.ge [sflag:s12], $0x1400  }
0x1c: {  	[sflag:s12] =	ssyncset.done $0x0  }
0x1d: {  	[sflag:s12] =	ssyncadd.s32 $0xFFFFEC00  }
0x1e: {  	[bflag:$0x0] =	sbarrier.arrive $0xFFFF  }
0x1f: {  	[tilespmem:s17], [sflag:$0x1] =	stream.indirect.gather [hbm4b:s4+s16], $0x40, s3, s16, $0xb8;
	[tilespmem:$0x16D00] =	vst v63  }
0x20: {  	s28 =	simm.s32 $0x100  }
0x21: {  	[tilespmem:s18], [sflag:$0x2] =	stream.indirect.gather [hbm4b:s4+s16], $0x40, s28, s16, $0xb8;
	[tilespmem:$0x16D00] =	vst v63  }
0x22: {  	_ =	swait.ge [sflag:s19], $0x3E80  }
0x23: {  	[sflag:s19] =	ssyncset.done $0x0  }
0x24: {  	s28 =	simm.s32 $0x2800;
	[sflag:s19] =	ssyncadd.s32 $0xFFFFC180  }
0x25: {  	[spmem:s2] =	stream.indirect.scatter.add.f32 [tilespmem:s17], [sflag:$0x3], $0x40, s28, s16, $0xb8;
	[tilespmem:$0x16D00] =	vst v63  }
0x26: {  	_ =	swait.ge [sflag:s12], $0x3E80  }
0x27: {  	[sflag:s12] =	ssyncset.done $0x0  }
0x28: {  	s28 =	simm.s32 $0x200;
	[sflag:s12] =	ssyncadd.s32 $0xFFFFC180  }
0x29: {  	[tilespmem:s17], [sflag:$0x1] =	stream.indirect.gather [hbm4b:s4+s16], $0x40, s28, s16, $0xb8;
	[tilespmem:$0x16D00] =	vst v63  }
0x2a: {  	_ =	swait.ge [sflag:s20], $0x3E80  }
0x2b: {  	[sflag:s20] =	ssyncset.done $0x0  }
0x2c: {  	s28 =	simm.s32 $0x2900;
	[sflag:s20] =	ssyncadd.s32 $0xFFFFC180  }
0x2d: {  	[spmem:s2] =	stream.indirect.scatter.add.f32 [tilespmem:s18], [sflag:$0x3], $0x40, s28, s16, $0xb8;
	[tilespmem:$0x16D00] =	vst v63  }
0x2e: {  	_ =	swait.ge [sflag:s12], $0x3E80  }
0x2f: {  	s29 =	simm.s32 $0x1000;
	s28 =	simm.s32 $0x200;
	[sflag:s12] =	ssyncset.done $0x0  }
.LBB2_2:
0x30: {  	s30 =	sadd.s32 $0x100, s28  }
0x31: {  	[sflag:s12] =	ssyncadd.s32 $0xFFFFC180;
	s31 =	smov.u32 s29;
	s1 =	sadd.s32 $0x800, s29  }
0x32: {  	[tilespmem:s18], [sflag:$0x2] =	stream.indirect.gather [hbm4b:s4+s16], $0x40, s30, s16, $0xb8;
	[tilespmem:$0x16D00] =	vst v63  }
0x33: {  	p0 =	sne.s32 s29, $0x9000;
	_ =	swait.ge [sflag:s19], $0x3E80  }
0x34: {  	[sflag:s19] =	ssyncset.done $0x0  }
0x35: {  	s29 =	sadd.s32 $0x2800, s28;
	[sflag:s19] =	ssyncadd.s32 $0xFFFFC180  }
0x36: {  	[spmem:s2] =	stream.indirect.scatter.add.f32 [tilespmem:s17], [sflag:$0x3], $0x40, s29, s16, $0xb8;
	[tilespmem:$0x16D00] =	vst v63  }
0x37: {  	_ =	swait.ge [sflag:s12], $0x3E80  }
0x38: {  	[sflag:s12] =	ssyncset.done $0x0  }
0x39: {  	s29 =	sadd.s32 $0x200, s28;
	[sflag:s12] =	ssyncadd.s32 $0xFFFFC180  }
0x3a: {  	[tilespmem:s17], [sflag:$0x1] =	stream.indirect.gather [hbm4b:s4+s16], $0x40, s29, s16, $0xb8;
	[tilespmem:$0x16D00] =	vst v63  }
0x3b: {  	_ =	swait.ge [sflag:s20], $0x3E80  }
.Ltmp0:
0x3c: {  	[sflag:s20] =	ssyncset.done $0x0;
	(pc) =	sbr.rel @p0 .LBB2_2-.Ltmp0, $4  }
0x3d: {  	s28 =	sadd.s32 $0x2900, s28;
	[sflag:s20] =	ssyncadd.s32 $0xFFFFC180  }
0x3e: {  	[spmem:s2] =	stream.indirect.scatter.add.f32 [tilespmem:s18], [sflag:$0x3], $0x40, s28, s16, $0xb8;
	[tilespmem:$0x16D00] =	vst v63  }
0x3f: {  	_ =	swait.ge [sflag:s12], $0x3E80  }
0x40: {  	s29 =	smov.u32 s1;
	s28 =	sshra.s32 s31, $0x2;
	[sflag:s12] =	ssyncset.done $0x0  }
0x41: {  	s1 =	sadd.s32 $0x100, s28;
	[sflag:s12] =	ssyncadd.s32 $0xFFFFC180  }
0x42: {  	[tilespmem:s18], [sflag:$0x2] =	stream.indirect.gather [hbm4b:s4+s16], $0x40, s1, s16, $0xb8;
	[tilespmem:$0x16D00] =	vst v63  }
0x43: {  	_ =	swait.ge [sflag:s19], $0x3E80  }
0x44: {  	[sflag:s19] =	ssyncset.done $0x0  }
0x45: {  	s30 =	sadd.s32 $0x2800, s28;
	[sflag:s19] =	ssyncadd.s32 $0xFFFFC180  }
0x46: {  	[spmem:s2] =	stream.indirect.scatter.add.f32 [tilespmem:s17], [sflag:$0x3], $0x40, s30, s16, $0xb8;
	[tilespmem:$0x16D00] =	vst v63  }
0x47: {  	_ =	swait.ge [sflag:s12], $0x3E80  }
0x48: {  	[sflag:s12] =	ssyncset.done $0x0  }
0x49: {  	s31 =	sadd.s32 $0x200, s28;
	[sflag:s12] =	ssyncadd.s32 $0xFFFFC180  }
0x4a: {  	[tilespmem:s17], [sflag:$0x1] =	stream.indirect.gather [hbm4b:s4+s16], $0x40, s31, s16, $0xb8;
	[tilespmem:$0x16D00] =	vst v63  }
0x4b: {  	_ =	swait.ge [sflag:s20], $0x3E80  }
0x4c: {  	[sflag:s20] =	ssyncset.done $0x0  }
0x4d: {  	s30 =	sadd.s32 $0x2900, s28;
	[sflag:s20] =	ssyncadd.s32 $0xFFFFC180  }
0x4e: {  	[spmem:s2] =	stream.indirect.scatter.add.f32 [tilespmem:s18], [sflag:$0x3], $0x40, s30, s16, $0xb8;
	[tilespmem:$0x16D00] =	vst v63  }
0x4f: {  	_ =	swait.ge [sflag:s12], $0x3E80  }
0x50: {  	[sflag:s12] =	ssyncset.done $0x0  }
0x51: {  	[sflag:s12] =	ssyncadd.s32 $0xFFFFC180  }
0x52: {  	[tilespmem:s18], [sflag:$0x2] =	stream.indirect.gather [hbm4b:s4+s16], $0x40, s21, s16, $0xb8;
	[tilespmem:$0x16D00] =	vst v63  }
0x53: {  	_ =	swait.ge [sflag:s19], $0x3E80  }
0x54: {  	[sflag:s19] =	ssyncset.done $0x0  }
0x55: {  	[sflag:s19] =	ssyncadd.s32 $0xFFFFC180  }
0x56: {  	[spmem:s2] =	stream.indirect.scatter.add.f32 [tilespmem:s17], [sflag:$0x3], $0x40, s22, s16, $0xb8;
	[tilespmem:$0x16D00] =	vst v63  }
0x57: {  	_ =	swait.ge [sflag:s12], $0x3E80  }
0x58: {  	[sflag:s12] =	ssyncset.done $0x0  }
0x59: {  	[sflag:s12] =	ssyncadd.s32 $0xFFFFC180  }
0x5a: {  	_ =	swait.ge [sflag:s20], $0x3E80  }
0x5b: {  	[sflag:s20] =	ssyncset.done $0x0  }
0x5c: {  	[sflag:s20] =	ssyncadd.s32 $0xFFFFC180  }
0x5d: {  	[spmem:s2] =	stream.indirect.scatter.add.f32 [tilespmem:s18], [sflag:$0x3], $0x40, s23, s16, $0xb8;
	[tilespmem:$0x16D00] =	vst v63  }
0x5e: {  	_ =	swait.ge [sflag:s12], $0x3E80  }
0x5f: {  	[sflag:s12] =	ssyncset.done $0x0  }
0x60: {  	[sflag:s12] =	ssyncadd.s32 $0xFFFFC180  }
0x61: {  	[bflag:$0x0] =	sbarrier.arrive $0xFFFF  }
0x62: {  	[hbm:s9@s24], [sflag:s14] =	dma.strided [spmem:s15@s25], $0x1400, s19, $0x8   }
0x63: {  	_ =	swait.ge [sflag:s12], $0x1400  }
0x64: {  	[sflag:s12] =	ssyncset.done $0x0  }
0x65: {  	[sflag:s12] =	ssyncadd.s32 $0xFFFFEC00  }
0x66: {  	[spmem:s15], [sflag:s14] =	dma.local [hbm:s8], $0x1400  }
0x67: {  	_ =	swait.ge [sflag:s12], $0x1400  }
0x68: {  	[sflag:s12] =	ssyncset.done $0x0  }
0x69: {  	[sflag:s12] =	ssyncadd.s32 $0xFFFFEC00  }
0x6a: {  	s31 =	simm.s32 $0x0;
	[bflag:$0x0] =	sbarrier.arrive $0xFFFF  }
0x6b: {  	[tilespmem:s17], [sflag:$0x1] =	stream.indirect.gather [hbm4b:s5+s16], $0x40, s31, s16, $0xb8;
	[tilespmem:$0x16D00] =	vst v63  }
0x6c: {  	s30 =	simm.s32 $0x100  }
0x6d: {  	[tilespmem:s18], [sflag:$0x2] =	stream.indirect.gather [hbm4b:s5+s16], $0x40, s30, s16, $0xb8;
	[tilespmem:$0x16D00] =	vst v63  }
0x6e: {  	_ =	swait.ge [sflag:s19], $0x3E80  }
0x6f: {  	[sflag:s19] =	ssyncset.done $0x0  }
0x70: {  	s31 =	simm.s32 $0x2800;
	[sflag:s19] =	ssyncadd.s32 $0xFFFFC180  }
0x71: {  	[spmem:s2] =	stream.indirect.scatter.add.f32 [tilespmem:s17], [sflag:$0x3], $0x40, s31, s16, $0xb8;
	[tilespmem:$0x16D00] =	vst v63  }
0x72: {  	_ =	swait.ge [sflag:s12], $0x3E80  }
0x73: {  	[sflag:s12] =	ssyncset.done $0x0  }
0x74: {  	s30 =	simm.s32 $0x200;
	[sflag:s12] =	ssyncadd.s32 $0xFFFFC180  }
0x75: {  	[tilespmem:s17], [sflag:$0x1] =	stream.indirect.gather [hbm4b:s5+s16], $0x40, s30, s16, $0xb8;
	[tilespmem:$0x16D00] =	vst v63  }
0x76: {  	_ =	swait.ge [sflag:s20], $0x3E80  }
0x77: {  	[sflag:s20] =	ssyncset.done $0x0  }
0x78: {  	s31 =	simm.s32 $0x2900;
	[sflag:s20] =	ssyncadd.s32 $0xFFFFC180  }
0x79: {  	[spmem:s2] =	stream.indirect.scatter.add.f32 [tilespmem:s18], [sflag:$0x3], $0x40, s31, s16, $0xb8;
	[tilespmem:$0x16D00] =	vst v63  }
0x7a: {  	_ =	swait.ge [sflag:s12], $0x3E80  }
0x7b: {  	s29 =	simm.s32 $0x1000;
	s28 =	simm.s32 $0x200;
	[sflag:s12] =	ssyncset.done $0x0  }
.LBB2_4:
0x7c: {  	s1 =	sadd.s32 $0x100, s28  }
0x7d: {  	[sflag:s12] =	ssyncadd.s32 $0xFFFFC180;
	s30 =	smov.u32 s29;
	s31 =	sadd.s32 $0x800, s29  }
0x7e: {  	[tilespmem:s18], [sflag:$0x2] =	stream.indirect.gather [hbm4b:s5+s16], $0x40, s1, s16, $0xb8;
	[tilespmem:$0x16D00] =	vst v63  }
0x7f: {  	p0 =	sne.s32 s29, $0x9000;
	_ =	swait.ge [sflag:s19], $0x3E80  }
0x80: {  	[sflag:s19] =	ssyncset.done $0x0  }
0x81: {  	s1 =	sadd.s32 $0x2800, s28;
	[sflag:s19] =	ssyncadd.s32 $0xFFFFC180  }
0x82: {  	[spmem:s2] =	stream.indirect.scatter.add.f32 [tilespmem:s17], [sflag:$0x3], $0x40, s1, s16, $0xb8;
	[tilespmem:$0x16D00] =	vst v63  }
0x83: {  	_ =	swait.ge [sflag:s12], $0x3E80  }
0x84: {  	[sflag:s12] =	ssyncset.done $0x0  }
0x85: {  	s1 =	sadd.s32 $0x200, s28;
	[sflag:s12] =	ssyncadd.s32 $0xFFFFC180  }
0x86: {  	[tilespmem:s17], [sflag:$0x1] =	stream.indirect.gather [hbm4b:s5+s16], $0x40, s1, s16, $0xb8;
	[tilespmem:$0x16D00] =	vst v63  }
0x87: {  	_ =	swait.ge [sflag:s20], $0x3E80  }
.Ltmp1:
0x88: {  	[sflag:s20] =	ssyncset.done $0x0;
	(pc) =	sbr.rel @p0 .LBB2_4-.Ltmp1, $4  }
0x89: {  	s1 =	sadd.s32 $0x2900, s28;
	[sflag:s20] =	ssyncadd.s32 $0xFFFFC180  }
0x8a: {  	[spmem:s2] =	stream.indirect.scatter.add.f32 [tilespmem:s18], [sflag:$0x3], $0x40, s1, s16, $0xb8;
	[tilespmem:$0x16D00] =	vst v63  }
0x8b: {  	_ =	swait.ge [sflag:s12], $0x3E80  }
0x8c: {  	s29 =	smov.u32 s31;
	s28 =	sshra.s32 s30, $0x2;
	[sflag:s12] =	ssyncset.done $0x0  }
0x8d: {  	s1 =	sadd.s32 $0x100, s28;
	[sflag:s12] =	ssyncadd.s32 $0xFFFFC180  }
0x8e: {  	[tilespmem:s18], [sflag:$0x2] =	stream.indirect.gather [hbm4b:s5+s16], $0x40, s1, s16, $0xb8;
	[tilespmem:$0x16D00] =	vst v63  }
0x8f: {  	_ =	swait.ge [sflag:s19], $0x3E80  }
0x90: {  	[sflag:s19] =	ssyncset.done $0x0  }
0x91: {  	s29 =	sadd.s32 $0x2800, s28;
	[sflag:s19] =	ssyncadd.s32 $0xFFFFC180  }
0x92: {  	[spmem:s2] =	stream.indirect.scatter.add.f32 [tilespmem:s17], [sflag:$0x3], $0x40, s29, s16, $0xb8;
	[tilespmem:$0x16D00] =	vst v63  }
0x93: {  	_ =	swait.ge [sflag:s12], $0x3E80  }
0x94: {  	[sflag:s12] =	ssyncset.done $0x0  }
0x95: {  	s30 =	sadd.s32 $0x200, s28;
	[sflag:s12] =	ssyncadd.s32 $0xFFFFC180  }
0x96: {  	[tilespmem:s17], [sflag:$0x1] =	stream.indirect.gather [hbm4b:s5+s16], $0x40, s30, s16, $0xb8;
	[tilespmem:$0x16D00] =	vst v63  }
0x97: {  	_ =	swait.ge [sflag:s20], $0x3E80  }
0x98: {  	[sflag:s20] =	ssyncset.done $0x0  }
0x99: {  	s31 =	sadd.s32 $0x2900, s28;
	[sflag:s20] =	ssyncadd.s32 $0xFFFFC180  }
0x9a: {  	[spmem:s2] =	stream.indirect.scatter.add.f32 [tilespmem:s18], [sflag:$0x3], $0x40, s31, s16, $0xb8;
	[tilespmem:$0x16D00] =	vst v63  }
0x9b: {  	_ =	swait.ge [sflag:s12], $0x3E80  }
0x9c: {  	[sflag:s12] =	ssyncset.done $0x0  }
0x9d: {  	[sflag:s12] =	ssyncadd.s32 $0xFFFFC180  }
0x9e: {  	[tilespmem:s18], [sflag:$0x2] =	stream.indirect.gather [hbm4b:s5+s16], $0x40, s21, s16, $0xb8;
	[tilespmem:$0x16D00] =	vst v63  }
0x9f: {  	_ =	swait.ge [sflag:s19], $0x3E80  }
0xa0: {  	[sflag:s19] =	ssyncset.done $0x0  }
0xa1: {  	[sflag:s19] =	ssyncadd.s32 $0xFFFFC180  }
0xa2: {  	[spmem:s2] =	stream.indirect.scatter.add.f32 [tilespmem:s17], [sflag:$0x3], $0x40, s22, s16, $0xb8;
	[tilespmem:$0x16D00] =	vst v63  }
0xa3: {  	_ =	swait.ge [sflag:s12], $0x3E80  }
0xa4: {  	[sflag:s12] =	ssyncset.done $0x0  }
0xa5: {  	[sflag:s12] =	ssyncadd.s32 $0xFFFFC180  }
0xa6: {  	_ =	swait.ge [sflag:s20], $0x3E80  }
0xa7: {  	[sflag:s20] =	ssyncset.done $0x0  }
0xa8: {  	[sflag:s20] =	ssyncadd.s32 $0xFFFFC180  }
0xa9: {  	[spmem:s2] =	stream.indirect.scatter.add.f32 [tilespmem:s18], [sflag:$0x3], $0x40, s23, s16, $0xb8;
	[tilespmem:$0x16D00] =	vst v63  }
0xaa: {  	_ =	swait.ge [sflag:s12], $0x3E80  }
0xab: {  	s26 =	sadd.s32 $0x1, s26;
	[sflag:s12] =	ssyncset.done $0x0  }
0xac: {  	p0 =	sne.s32 s26, s11;
	[sflag:s12] =	ssyncadd.s32 $0xFFFFC180  }
.Ltmp2:
0xad: {  	[bflag:$0x0] =	sbarrier.arrive $0xFFFF;
	(pc) =	sbr.rel @p0 .LBB2_1-.Ltmp2, $4  }
0xae: {  	[hbm:s10@s24], [sflag:s14] =	dma.strided [spmem:s15@s25], $0x1400, s19, $0x8   }
0xaf: {  	_ =	swait.ge [sflag:s12], $0x1400  }
0xb0: {  	[sflag:s12] =	ssyncset.done $0x0  }
0xb1: {  	[sflag:s12] =	ssyncadd.s32 $0xFFFFEC00  }
0xb2: {  	_ =	sfence.sel $0x180000  }
0xb3: {  	[bflag:$0x0] =	sbarrier.arrive $0xFFFF  }
0xb4: {  	_ =	strace $0x9000004A  }
0xb5: {  	[bflag:$0x2] =	sbarrier.arrive $0xFFFF  }
0xb6: {  	p0 =	sne.s32 s0, $0x0;
	s0 =	rddreg [dreg:$0x2]  }
0xb7: {  	s0 =	sadd.s32 @!p0 $0x100000, s0  }
0xb8: {  	[sflag:s0] =	ssyncadd.tile.s32 @!p0 $0x1;
	_ =	shalt  }
.Lfunc_end2:
_tile_overlayer_lowered:
.L_overlay_start_2:
0xb9: {  	(tag) =	ssettag $0x2  }
0xba: {  	s0 =	rddreg [dreg:$0x0];
	s2 =	stileid.u32  }
0xbb: {  	s1 =	rddreg [dreg:$0x1];
	p0 =	sne.s32 s2, $0x0  }
0xbc: {  	s3 =	rddreg [dreg:$0x2];
	[bflag:$0x3] =	sbarrier.arrive $0xFFFF;
	s2 =	simm.s32 @!p0 $0x1C03  }
0xbd: {  	[timem:s3], [sflag:s2] =	dma.local @!p0 [hbm:s0], s1  }
0xbe: {  	s0 =	simm.s32 @!p0 $0x3  }
0xbf: {  	_ =	swait.ge @!p0 [sflag:s0], s1  }
0xc0: {  	s1 =	ssub.s32 @!p0 $0x0, s1;
	[sflag:s0] =	ssyncset.done @!p0 $0x0  }
0xc1: {  	[sflag:s0] =	ssyncadd.s32 @!p0 s1  }
0xc2: {  	[bflag:$0x3] =	sbarrier.arrive $0xFFFF  }
0xc3: {  	_ =	shalt  }

// kernel: kernel.13.cloned.1.call-start
scs
__scs_entry_jumppad:
0x0: {  	(pc) =	sbr.rel $0x88, $3  }
0x1: {  	(tag) =	ssettag $0x0;
	lr =	simm.s32 $0x1  }
0x2: {  	[smem:$0x3F9A] =	sst lr;
	_ =	strace $0xD0000000  }
0x3: {  	_ = 	snop  }
0x4: {  	_ = 	snop  }
0x5: {  	_ = 	snop  }
0x6: {  	_ = 	snop  }
0x7: {  	_ = 	snop  }
__scs_overlays_trampoline_lowered:
0x8: {  	[smem:$0x3FA9] =	sst s0  }
0x9: {  	[smem:$0x3FAA] =	sst s1  }
0xa: {  	[smem:$0x3FAB] =	sst s2  }
0xb: {  	[smem:$0x3FAC] =	sst s3  }
0xc: {  	[smem:$0x3FAD] =	sst s4  }
0xd: {  	[smem:$0x3FAE] =	sst s5  }
0xe: {  	[smem:$0x3FAF] =	sst s6  }
0xf: {  	[smem:$0x3FB0] =	sst s7  }
0x10: {  	[smem:$0x3FB1] =	sst s8  }
0x11: {  	[smem:$0x3FB2] =	sst s9;
	s0 =	simm.s32 @!p0 $0x0  }
0x12: {  	s1 =	sld [smem:$0x3F98];
	s0 =	simm.s32 @p0 $0x1  }
0x13: {  	[smem:$0x3FB3] =	sst s0;
	s0 =	simm.s32 @!p1 $0x0  }
0x14: {  	s2 =	sld [smem:$0x3F97];
	s0 =	simm.s32 @p1 $0x1  }
0x15: {  	[smem:$0x3FB4] =	sst s0;
	s0 =	simm.s32 @!p2 $0x0  }
0x16: {  	s3 =	sld [smem:$0x3FDB];
	s0 =	simm.s32 @p2 $0x1  }
0x17: {  	s4 =	simm.s32 $0x1BF5;
	[smem:$0x3FB6] =	sst s0  }
0x18: {  	s0 =	sld [smem:$0x3F99];
	_ =	swait.ge [sflag:s4], $0x0  }
0x19: {  	s7 =	sld [smem:$0x3F9A]  }
0x1a: {  	s8 =	sadd.s32 $0xFFFFE003, lr  }
0x1b: {  	s9 =	sadd.s32 $0xFFFFFEF7, lr;
	s5 =	simm.s32 $0xFFFFFFFF;
	p2 =	slt.u32 s8, $0xFFFFF086  }
0x1c: {  	p1 =	slt.u32 s9, $0xF7A;
	s5 =	simm.s32 @!p2 $0x0  }
0x1d: {  	s5 =	simm.s32 @p1 $0x1;
	p0 =	seq.s32 s7, s2  }
0x1e: {  	s7 =	smul.u32 @!p0 $0xF7A, s2;
	p2 =	seq.s32 @!p0 s5, $0x0  }
0x1f: {  	s9 =	smul.u32 $0xF7A, s1;
	s8 =	simm.s32 @!p0 $0x1BF5;
	p2 =	por !p2, p0  }
0x20: {  	[sflag:s8] =	ssyncset.s32 @!p0 $0xFFFFF086;
	s6 =	sadd.s32 @!p0 s3, s7;
	s7 =	simm.s32 @!p0 $0x108  }
0x21: {  	s3 =	sadd.s32 s3, s9;
	s6 =	sadd.s32 @!p0 $0x88, s6;
	s7 =	simm.s32 @p2 $0x1082  }
0x22: {  	[simem:s7], [sflag:s8] =	dma.local @!p0 [hbm:s6], $0xF7A  }
0x23: {  	s9 =	sor.u32 $0xD0000000, s2;
	s6 =	simm.s32 $0x108;
	_ =	swait.ge @!p0 [sflag:s8], $0x0  }
0x24: {  	s3 =	sadd.s32 $0x88, s3;
	s6 =	simm.s32 @!p1 $0x1082;
	[sflag:s4] =	ssyncset.s32 $0xFFFFF086  }
0x25: {  	[simem:s6], [sflag:s4] =	dma.local [hbm:s3], $0xF7A  }
0x26: {  	[smem:$0x3F9A] =	sst s1;
	(tag) =	ssettag s2;
	_ =	strace s9  }
0x27: {  	s1 =	sld [smem:$0x3FAA]  }
0x28: {  	s2 =	sld [smem:$0x3FAB]  }
0x29: {  	s4 =	sld [smem:$0x3FAD]  }
0x2a: {  	p0 =	seq.s32 s5, $0x0;
	s5 =	sld [smem:$0x3FAE]  }
0x2b: {  	s6 =	sld [smem:$0x3FAF]  }
0x2c: {  	s7 =	sld [smem:$0x3FB0]  }
0x2d: {  	s3 =	simm.s32 $0x108;
	s8 =	sld [smem:$0x3FB1]  }
0x2e: {  	s3 =	simm.s32 @!p0 $0x1082;
	s9 =	sld [smem:$0x3FB2]  }
0x2f: {  	lr =	sadd.s32 s0, s3;
	s0 =	sld [smem:$0x3FA9]  }
0x30: {  	s3 =	sld [smem:$0x3FAC]  }
0x31: {  	[smem:$0x3FB5] =	sst s10  }
0x32: {  	s10 =	sld [smem:$0x3FB3];
	_ =	sdelay $0x3  }
0x33: {  	p0 =	seq.s32 s10, $0x1;
	s10 =	sld [smem:$0x3FB5];
	_ =	sdelay $0x3  }
0x34: {  	[smem:$0x3FB5] =	sst s10  }
0x35: {  	s10 =	sld [smem:$0x3FB4];
	_ =	sdelay $0x3  }
0x36: {  	p1 =	seq.s32 s10, $0x1;
	s10 =	sld [smem:$0x3FB5];
	_ =	sdelay $0x3  }
0x37: {  	[smem:$0x3FB5] =	sst s10  }
0x38: {  	s10 =	sld [smem:$0x3FB6]  }
0x39: {  	_ = 	snop;
	(pc) =	sbr.ind lr, $3  }
0x3a: {  	_ = 	snop  }
0x3b: {  	_ = 	snop  }
0x3c: {  	p2 =	seq.s32 s10, $0x1;
	s10 =	sld [smem:$0x3FB5]  }
0x3d: {  	_ =	shalt  }
0x3e: {  	_ =	shalt  }
0x3f: {  	_ =	shalt  }
0x40: {  	_ =	shalt  }
0x41: {  	_ =	shalt  }
0x42: {  	_ =	shalt  }
0x43: {  	_ =	shalt  }
0x44: {  	_ =	shalt  }
0x45: {  	_ =	shalt  }
0x46: {  	_ =	shalt  }
0x47: {  	_ =	shalt  }
0x48: {  	_ =	shalt  }
0x49: {  	_ =	shalt  }
0x4a: {  	_ =	shalt  }
0x4b: {  	_ =	shalt  }
0x4c: {  	_ =	shalt  }
0x4d: {  	_ =	shalt  }
0x4e: {  	_ =	shalt  }
0x4f: {  	_ =	shalt  }
0x50: {  	_ =	shalt  }
0x51: {  	_ =	shalt  }
0x52: {  	_ =	shalt  }
0x53: {  	_ =	shalt  }
0x54: {  	_ =	shalt  }
0x55: {  	_ =	shalt  }
0x56: {  	_ =	shalt  }
0x57: {  	_ =	shalt  }
0x58: {  	_ =	shalt  }
0x59: {  	_ =	shalt  }
0x5a: {  	_ =	shalt  }
0x5b: {  	_ =	shalt  }
0x5c: {  	_ =	shalt  }
0x5d: {  	_ =	shalt  }
0x5e: {  	_ =	shalt  }
0x5f: {  	_ =	shalt  }
0x60: {  	_ =	shalt  }
0x61: {  	_ =	shalt  }
0x62: {  	_ =	shalt  }
0x63: {  	_ =	shalt  }
0x64: {  	_ =	shalt  }
0x65: {  	_ =	shalt  }
0x66: {  	_ =	shalt  }
0x67: {  	_ =	shalt  }
0x68: {  	_ =	shalt  }
0x69: {  	_ =	shalt  }
0x6a: {  	_ =	shalt  }
0x6b: {  	_ =	shalt  }
0x6c: {  	_ =	shalt  }
0x6d: {  	_ =	shalt  }
0x6e: {  	_ =	shalt  }
0x6f: {  	_ =	shalt  }
0x70: {  	_ =	shalt  }
0x71: {  	_ =	shalt  }
0x72: {  	_ =	shalt  }
0x73: {  	_ =	shalt  }
0x74: {  	_ =	shalt  }
0x75: {  	_ =	shalt  }
0x76: {  	_ =	shalt  }
0x77: {  	_ =	shalt  }
0x78: {  	_ =	shalt  }
0x79: {  	_ =	shalt  }
0x7a: {  	_ =	shalt  }
0x7b: {  	_ =	shalt  }
0x7c: {  	_ =	shalt  }
0x7d: {  	_ =	shalt  }
0x7e: {  	_ =	shalt  }
0x7f: {  	_ =	shalt  }
0x80: {  	_ =	shalt  }
0x81: {  	_ =	shalt  }
0x82: {  	_ =	shalt  }
0x83: {  	_ =	shalt  }
0x84: {  	_ =	shalt  }
0x85: {  	_ =	shalt  }
0x86: {  	_ =	shalt  }
0x87: {  	_ =	shalt  }
.Lfunc_end0:
.L_simem_size_0:
called_computation.2_lowered:
.L_overlay_start_0:
0x88: {  	s2 =	sld [smem:$0x3FD9]  }
0x89: {  	s3 =	sld [smem:$0x3FFE];
	_ =	sdelay $0x1  }
0x8a: {  	s1 =	srdreg.scid  }
0x8b: {  	s0 =	sand.u32 $0x1, s1  }
0x8c: {  	s17 =	sshll.u32 s0, $0xA;
	s2 =	sadd.s32 s3, s2  }
0x8d: {  	s2 =	sadd.s32 s2, s17  }
0x8e: {  	[smem:$0x3FC1] =	sst s2  }
0x8f: {  	_ = 	snop  }
0x90: {  	s2 =	sld [smem:$0x3FC3]  }
0x91: {  	s18 =	sld [smem:$0x3FD0];
	(tm) =	ssettm $0x1  }
0x92: {  	s4 =	sld [smem:$0x3FFB];
	_ =	sdelay $0x3  }
0x93: {  	_ =	strace s4  }
0x94: {  	s4 =	sld [smem:$0x3FFC];
	_ =	sdelay $0x3  }
0x95: {  	_ =	strace s4  }
0x96: {  	s4 =	sld [smem:$0x3FFD];
	_ =	sdelay $0x3  }
0x97: {  	_ =	strace s4  }
0x98: {  	_ =	strace $0x8FFFFFFF  }
0x99: {  	s19 =	sld [smem:$0x3FDB];
	_ =	sdelay $0x1  }
0x9a: {  	s5 =	simm.s32 $_scs_section_size  }
0x9b: {  	s6 =	simm.s32 $_size__tile_overlayer_lowered;
	s7 =	simm.s32 $_tile_overlayer_lowered  }
0x9c: {  	s22 =	simm.s32 $0x1BFF;
	s21 =	sshll.u32 s7, $0x1;
	s4 =	sadd.s32 s5, s19  }
0x9d: {  	s8 =	simm.s32 $0x0;
	s20 =	sshll.u32 s6, $0x1;
	s6 =	sadd.s32 s21, s4  }
0x9e: {  	[timem:s8], [sflag:s22] =	dma.local [hbm:s6], s20  }
0x9f: {  	_ =	swait.ge [sflag:s22], s20  }
0xa0: {  	s5 =	ssub.s32 $0x0, s20;
	[sflag:s22] =	ssyncset.done $0x0  }
0xa1: {  	[sflag:s22] =	ssyncadd.s32 s5;
	_ =	sdelay $0x1  }
0xa2: {  	s23 =	simm.s32 $0x1B8B  }
0xa3: {  	_ =	swait.ge [sflag:s23], $0x1  }
0xa4: {  	[sflag:s23] =	ssyncset.done $0x0  }
0xa5: {  	s25 =	simm.s32 $0x1B8E;
	s24 =	sld [smem:$0x3FFE];
	[sflag:s23] =	ssyncadd.s32 $0xFFFFFFFF  }
0xa6: {  	s26 =	simm.s32 $execute0_lowered;
	[smem:$0x3FD2] =	sst s25  }
0xa7: {  	s6 =	sshll.u32 s26, $0x1;
	_ =	strace $0x8000004C;
	[dreg:$0x1] =	wrdreg $0xFFFFFFFF  }
0xa8: {  	s28 =	simm.s32 $_size_execute0_lowered;
	s4 =	sadd.s32 s4, s6;
	[dreg:$0x0] =	wrdreg $0x0  }
0xa9: {  	s6 =	sshll.u32 s28, $0x1;
	[dreg:$0x2] =	wrdreg s4  }
0xaa: {  	[dreg:$0x3] =	wrdreg s6  }
0xab: {  	[dreg:$0x4] =	wrdreg $0xC0  }
0xac: {  	_ =	task [dreg:s8], $0x5FFFF  }
0xad: {  	[dreg:$0x1] =	wrdreg $0xFFFFFFFF  }
0xae: {  	[dreg:$0x0] =	wrdreg $0x60  }
0xaf: {  	[dreg:$0x2] =	wrdreg s18  }
0xb0: {  	[dreg:$0x3] =	wrdreg s24  }
0xb1: {  	[dreg:$0x4] =	wrdreg s2  }
0xb2: {  	[dreg:$0x5] =	wrdreg $0x9D200  }
0xb3: {  	[dreg:$0x6] =	wrdreg $0x9  }
0xb4: {  	_ =	task.clear_ibuf [dreg:s8], $0x7FFFF;
	_ =	strace $0x9000004C  }
0xb5: {  	s29 =	simm.s32 $0x9;
	_ =	strace $0x8000004E  }
0xb6: {  	_ =	swait.ge [sflag:s29], $0x1  }
0xb7: {  	[sflag:s29] =	ssyncadd.s32 $0xFFFFFFFF  }
0xb8: {  	_ =	strace $0x9000004E  }
0xb9: {  	_ =	sfence  }
0xba: {  	s30 =	sld [smem:$0x0];
	_ =	sdelay $0x2  }
0xbb: {  	s31 =	sshll.u32 s1, $0xD;
	s1 =	sshrl.u32 s1, $0x2  }
0xbc: {  	s3 =	sand.u32 $0x4000, s31;
	s1 =	sadd.s32 s1, s30  }
0xbd: {  	s0 =	sor.u32 s3, s0;
	s1 =	sshll.u32 s1, $0x11  }
0xbe: {  	s0 =	sor.u32 s1, s0  }
0xbf: {  	s0 =	sadd.s32 $0x8F2B, s0  }
0xc0: {  	[sflag:s0] =	ssyncadd.remote.s32 $0x1  }
0xc1: {  	_ =	sfence.sel $0xFFFF  }
0xc2: {  	[dreg:$0x0] =	wrdreg $0xFFFFFFFF;
	(pc) =	sbr.abs _section_cstart, $3  }
0xc3: {  	[dreg:$0x1] =	wrdreg $0xFFFFFFFF  }
0xc4: {  	_ =	task.clear_ibuf [dreg:s8], $0x2FFFF;
	_ =	strace $0x9FFFFFFF  }
0xc5: {  	(tm) =	ssettm $0x7FFFFFFF  }
tec
execute0_lowered:
.L_overlay_start_1:
0x0: {  	(tag) =	ssettag $0x1  }
0x1: {  	s1 =	rddreg [dreg:$0x0]  }
0x2: {  	s0 =	srdreg.scid;
	s2 =	rddreg [dreg:$0x1]  }
0x3: {  	s14 =	stileid.u32;
	s4 =	rddreg [dreg:$0x3]  }
0x4: {  	s5 =	simm.s32 $0x0;
	s13 =	simm.s32 $0x3;
	s17 =	simm.s32 $0x271  }
0x5: {  	s18 =	simm.s32 $0x4F00;
	s20 =	simm.s32 $0x7610;
	s21 =	simm.s32 $0x1  }
0x6: {  	s23 =	simm.s32 $0x2;
	s22 =	simm.s32 $0x2290;
	s24 =	simm.s32 $0x4798  }
0x7: {  	s25 =	simm.s32 $0x2508;
	s28 =	simm.s32 $0x4C88;
	s29 =	simm.s32 $0xC520  }
0x8: {  	s30 =	simm.s32 $0xED20;
	s31 =	simm.s32 $0x11520;
	s0 =	sand.u32 $0x1, s0  }
0x9: {  	s8 =	smul.u32 $0x2800, s14;
	[smem:$0x7FF] =	sst s5;
	s26 =	sshll.u32 s14, $0x6  }
0xa: {  	s3 =	sshll.u32 s0, $0x4;
	s6 =	smul.u32 $0x28000, s0;
	_ =	strace $0x8000004D  }
0xb: {  	s7 =	ssub.s32 $0x2, s0;
	p0 =	seq.s32 s0, $0x0;
	s0 =	simm.f32 $1.000000000e+00  }
0xc: {  	s15 =	sor.u32 $0x1C03, s26;
	s26 =	simm.s32 $0x4A10;
	s3 =	sor.u32 s14, s3  }
0xd: {  	s9 =	sshrl.u32 s8, $0x3;
	s10 =	sshrl.u32 s7, $0x1;
	s0 =	simm.s32 @!p0 $0x0  }
0xe: {  	s14 =	simm.s32 $0x2780;
	s3 =	smul.u32 $0x2780, s3;
	s6 =	sadd.s32 s8, s6  }
0xf: {  	s11 =	sadd.s32 s9, s2;
	s12 =	ssub.s32 s7, s10;
	s8 =	sadd.s32 s8, s4  }
0x10: {  	s6 =	sshrl.u32 s6, $0x3;
	s9 =	sadd.s32 $0x16A00, s11;
	s3 =	sshrl.u32 s3, $0x3  }
0x11: {  	s10 =	sadd.s32 $0xBB400, s11;
	s12 =	smax.u32 s12, $0x1;
	s3 =	sadd.s32 s3, s2  }
0x12: {  	s16 =	sshrl.u32 s8, $0x3;
	s2 =	sadd.s32 s6, s2;
	s6 =	sadd.s32 $0x2E00, s3  }
0x13: {  	v0 =	vmov s0;
	s7 =	sadd.s32 $0xCC00, s3;
	s11 =	sadd.s32 $0x1BA00, s2;
	s2 =	simm.s32 $0x0  }
.LBB2_1:
0x14: {  	[tilespmem:s5], [sflag:$0x3] =	stream.linear.gather [hbm4b:s6+s5], $0x2780, $0x38;
	[tilespmem:$0x11530] =	vst v63  }
0x15: {  	_ =	swait.ge [sflag:s13], $0x2780  }
0x16: {  	[sflag:s13] =	ssyncset.done $0x0  }
0x17: {  	[sflag:s13] =	ssyncadd.s32 $0xFFFFD880  }
0x18: {  	[tilespmem:s14], [sflag:$0x3] =	stream.linear.gather [hbm4b:s7+s5], $0x2780, $0x38;
	[tilespmem:$0x11530] =	vst v63  }
0x19: {  	_ =	swait.ge [sflag:s13], $0x2780  }
0x1a: {  	[sflag:s13] =	ssyncset.done $0x0  }
0x1b: {  	[sflag:s13] =	ssyncadd.s32 $0xFFFFD880  }
0x1c: {  	[spmem:s16], [sflag:s15] =	dma.local [hbm:s9], $0x500  }
0x1d: {  	_ =	swait.ge [sflag:s13], $0x500  }
0x1e: {  	[sflag:s13] =	ssyncset.done $0x0  }
0x1f: {  	[sflag:s13] =	ssyncadd.s32 $0xFFFFFB00  }
0x20: {  	[bflag:$0x0] =	sbarrier.arrive $0xFFFF  }
0x21: {  	[tilespmem:s18], [sflag:$0x1] =	stream.indirect.gather [hbm4b:s1+s17], $0x10, s5, s17, $0xb8;
	[tilespmem:$0x11530] =	vst v63  }
0x22: {  	s0 =	simm.s32 $0x278  }
0x23: {  	[tilespmem:s20], [sflag:$0x2] =	stream.indirect.gather [hbm4b:s1+s17], $0x10, s0, s17, $0xb8;
	[tilespmem:$0x11530] =	vst v63  }
0x24: {  	_ =	swait.ge [sflag:s21], $0x2710  }
0x25: {  	[sflag:s21] =	ssyncset.done $0x0  }
0x26: {  	[sflag:s21] =	ssyncadd.s32 $0xFFFFD8F0  }
0x27: {  	[spmem:s4] =	stream.indirect.scatter.add.f32 [tilespmem:s18], [sflag:$0x3], $0x10, s14, s17, $0xb8;
	[tilespmem:$0x11530] =	vst v63  }
0x28: {  	_ =	swait.ge [sflag:s13], $0x2710  }
0x29: {  	[sflag:s13] =	ssyncset.done $0x0  }
0x2a: {  	s19 =	simm.s32 $0x4F0;
	[sflag:s13] =	ssyncadd.s32 $0xFFFFD8F0  }
0x2b: {  	[tilespmem:s18], [sflag:$0x1] =	stream.indirect.gather [hbm4b:s1+s17], $0x10, s19, s17, $0xb8;
	[tilespmem:$0x11530] =	vst v63  }
0x2c: {  	_ =	swait.ge [sflag:s23], $0x2710  }
0x2d: {  	[sflag:s23] =	ssyncset.done $0x0  }
0x2e: {  	s3 =	simm.s32 $0x29F8;
	[sflag:s23] =	ssyncadd.s32 $0xFFFFD8F0  }
0x2f: {  	[spmem:s4] =	stream.indirect.scatter.add.f32 [tilespmem:s20], [sflag:$0x3], $0x10, s3, s17, $0xb8;
	[tilespmem:$0x11530] =	vst v63  }
0x30: {  	_ =	swait.ge [sflag:s13], $0x2710  }
0x31: {  	[sflag:s13] =	ssyncset.done $0x0  }
0x32: {  	s19 =	simm.s32 $0x768;
	[sflag:s13] =	ssyncadd.s32 $0xFFFFD8F0  }
0x33: {  	[tilespmem:s20], [sflag:$0x2] =	stream.indirect.gather [hbm4b:s1+s17], $0x10, s19, s17, $0xb8;
	[tilespmem:$0x11530] =	vst v63  }
0x34: {  	_ =	swait.ge [sflag:s21], $0x2710  }
0x35: {  	[sflag:s21] =	ssyncset.done $0x0  }
0x36: {  	s3 =	simm.s32 $0x2C70;
	[sflag:s21] =	ssyncadd.s32 $0xFFFFD8F0  }
0x37: {  	[spmem:s4] =	stream.indirect.scatter.add.f32 [tilespmem:s18], [sflag:$0x3], $0x10, s3, s17, $0xb8;
	[tilespmem:$0x11530] =	vst v63  }
0x38: {  	_ =	swait.ge [sflag:s13], $0x2710  }
0x39: {  	[sflag:s13] =	ssyncset.done $0x0  }
0x3a: {  	s19 =	simm.s32 $0x9E0;
	[sflag:s13] =	ssyncadd.s32 $0xFFFFD8F0  }
0x3b: {  	[tilespmem:s18], [sflag:$0x1] =	stream.indirect.gather [hbm4b:s1+s17], $0x10, s19, s17, $0xb8;
	[tilespmem:$0x11530] =	vst v63  }
0x3c: {  	_ =	swait.ge [sflag:s23], $0x2710  }
0x3d: {  	[sflag:s23] =	ssyncset.done $0x0  }
0x3e: {  	s3 =	simm.s32 $0x2EE8;
	[sflag:s23] =	ssyncadd.s32 $0xFFFFD8F0  }
0x3f: {  	[spmem:s4] =	stream.indirect.scatter.add.f32 [tilespmem:s20], [sflag:$0x3], $0x10, s3, s17, $0xb8;
	[tilespmem:$0x11530] =	vst v63  }
0x40: {  	_ =	swait.ge [sflag:s13], $0x2710  }
0x41: {  	[sflag:s13] =	ssyncset.done $0x0  }
0x42: {  	s19 =	simm.s32 $0xC58;
	[sflag:s13] =	ssyncadd.s32 $0xFFFFD8F0  }
0x43: {  	[tilespmem:s20], [sflag:$0x2] =	stream.indirect.gather [hbm4b:s1+s17], $0x10, s19, s17, $0xb8;
	[tilespmem:$0x11530] =	vst v63  }
0x44: {  	_ =	swait.ge [sflag:s21], $0x2710  }
0x45: {  	[sflag:s21] =	ssyncset.done $0x0  }
0x46: {  	s3 =	simm.s32 $0x3160;
	[sflag:s21] =	ssyncadd.s32 $0xFFFFD8F0  }
0x47: {  	[spmem:s4] =	stream.indirect.scatter.add.f32 [tilespmem:s18], [sflag:$0x3], $0x10, s3, s17, $0xb8;
	[tilespmem:$0x11530] =	vst v63  }
0x48: {  	_ =	swait.ge [sflag:s13], $0x2710  }
0x49: {  	[sflag:s13] =	ssyncset.done $0x0  }
0x4a: {  	s19 =	simm.s32 $0xED0;
	[sflag:s13] =	ssyncadd.s32 $0xFFFFD8F0  }
0x4b: {  	[tilespmem:s18], [sflag:$0x1] =	stream.indirect.gather [hbm4b:s1+s17], $0x10, s19, s17, $0xb8;
	[tilespmem:$0x11530] =	vst v63  }
0x4c: {  	_ =	swait.ge [sflag:s23], $0x2710  }
0x4d: {  	[sflag:s23] =	ssyncset.done $0x0  }
0x4e: {  	s3 =	simm.s32 $0x33D8;
	[sflag:s23] =	ssyncadd.s32 $0xFFFFD8F0  }
0x4f: {  	[spmem:s4] =	stream.indirect.scatter.add.f32 [tilespmem:s20], [sflag:$0x3], $0x10, s3, s17, $0xb8;
	[tilespmem:$0x11530] =	vst v63  }
0x50: {  	_ =	swait.ge [sflag:s13], $0x2710  }
0x51: {  	[sflag:s13] =	ssyncset.done $0x0  }
0x52: {  	s19 =	simm.s32 $0x1148;
	[sflag:s13] =	ssyncadd.s32 $0xFFFFD8F0  }
0x53: {  	[tilespmem:s20], [sflag:$0x2] =	stream.indirect.gather [hbm4b:s1+s17], $0x10, s19, s17, $0xb8;
	[tilespmem:$0x11530] =	vst v63  }
0x54: {  	_ =	swait.ge [sflag:s21], $0x2710  }
0x55: {  	[sflag:s21] =	ssyncset.done $0x0  }
0x56: {  	s3 =	simm.s32 $0x3650;
	[sflag:s21] =	ssyncadd.s32 $0xFFFFD8F0  }
0x57: {  	[spmem:s4] =	stream.indirect.scatter.add.f32 [tilespmem:s18], [sflag:$0x3], $0x10, s3, s17, $0xb8;
	[tilespmem:$0x11530] =	vst v63  }
0x58: {  	_ =	swait.ge [sflag:s13], $0x2710  }
0x59: {  	[sflag:s13] =	ssyncset.done $0x0  }
0x5a: {  	s19 =	simm.s32 $0x13C0;
	[sflag:s13] =	ssyncadd.s32 $0xFFFFD8F0  }
0x5b: {  	[tilespmem:s18], [sflag:$0x1] =	stream.indirect.gather [hbm4b:s1+s17], $0x10, s19, s17, $0xb8;
	[tilespmem:$0x11530] =	vst v63  }
0x5c: {  	_ =	swait.ge [sflag:s23], $0x2710  }
0x5d: {  	[sflag:s23] =	ssyncset.done $0x0  }
0x5e: {  	s3 =	simm.s32 $0x38C8;
	[sflag:s23] =	ssyncadd.s32 $0xFFFFD8F0  }
0x5f: {  	[spmem:s4] =	stream.indirect.scatter.add.f32 [tilespmem:s20], [sflag:$0x3], $0x10, s3, s17, $0xb8;
	[tilespmem:$0x11530] =	vst v63  }
0x60: {  	_ =	swait.ge [sflag:s13], $0x2710  }
0x61: {  	[sflag:s13] =	ssyncset.done $0x0  }
0x62: {  	s19 =	simm.s32 $0x1638;
	[sflag:s13] =	ssyncadd.s32 $0xFFFFD8F0  }
0x63: {  	[tilespmem:s20], [sflag:$0x2] =	stream.indirect.gather [hbm4b:s1+s17], $0x10, s19, s17, $0xb8;
	[tilespmem:$0x11530] =	vst v63  }
0x64: {  	_ =	swait.ge [sflag:s21], $0x2710  }
0x65: {  	[sflag:s21] =	ssyncset.done $0x0  }
0x66: {  	s3 =	simm.s32 $0x3B40;
	[sflag:s21] =	ssyncadd.s32 $0xFFFFD8F0  }
0x67: {  	[spmem:s4] =	stream.indirect.scatter.add.f32 [tilespmem:s18], [sflag:$0x3], $0x10, s3, s17, $0xb8;
	[tilespmem:$0x11530] =	vst v63  }
0x68: {  	_ =	swait.ge [sflag:s13], $0x2710  }
0x69: {  	[sflag:s13] =	ssyncset.done $0x0  }
0x6a: {  	s19 =	simm.s32 $0x18B0;
	[sflag:s13] =	ssyncadd.s32 $0xFFFFD8F0  }
0x6b: {  	[tilespmem:s18], [sflag:$0x1] =	stream.indirect.gather [hbm4b:s1+s17], $0x10, s19, s17, $0xb8;
	[tilespmem:$0x11530] =	vst v63  }
0x6c: {  	_ =	swait.ge [sflag:s23], $0x2710  }
0x6d: {  	[sflag:s23] =	ssyncset.done $0x0  }
0x6e: {  	s3 =	simm.s32 $0x3DB8;
	[sflag:s23] =	ssyncadd.s32 $0xFFFFD8F0  }
0x6f: {  	[spmem:s4] =	stream.indirect.scatter.add.f32 [tilespmem:s20], [sflag:$0x3], $0x10, s3, s17, $0xb8;
	[tilespmem:$0x11530] =	vst v63  }
0x70: {  	_ =	swait.ge [sflag:s13], $0x2710  }
0x71: {  	[sflag:s13] =	ssyncset.done $0x0  }
0x72: {  	s19 =	simm.s32 $0x1B28;
	[sflag:s13] =	ssyncadd.s32 $0xFFFFD8F0  }
0x73: {  	[tilespmem:s20], [sflag:$0x2] =	stream.indirect.gather [hbm4b:s1+s17], $0x10, s19, s17, $0xb8;
	[tilespmem:$0x11530] =	vst v63  }
0x74: {  	_ =	swait.ge [sflag:s21], $0x2710  }
0x75: {  	[sflag:s21] =	ssyncset.done $0x0  }
0x76: {  	s3 =	simm.s32 $0x4030;
	[sflag:s21] =	ssyncadd.s32 $0xFFFFD8F0  }
0x77: {  	[spmem:s4] =	stream.indirect.scatter.add.f32 [tilespmem:s18], [sflag:$0x3], $0x10, s3, s17, $0xb8;
	[tilespmem:$0x11530] =	vst v63  }
0x78: {  	_ =	swait.ge [sflag:s13], $0x2710  }
0x79: {  	[sflag:s13] =	ssyncset.done $0x0  }
0x7a: {  	s19 =	simm.s32 $0x1DA0;
	[sflag:s13] =	ssyncadd.s32 $0xFFFFD8F0  }
0x7b: {  	[tilespmem:s18], [sflag:$0x1] =	stream.indirect.gather [hbm4b:s1+s17], $0x10, s19, s17, $0xb8;
	[tilespmem:$0x11530] =	vst v63  }
0x7c: {  	_ =	swait.ge [sflag:s23], $0x2710  }
0x7d: {  	[sflag:s23] =	ssyncset.done $0x0  }
0x7e: {  	s3 =	simm.s32 $0x42A8;
	[sflag:s23] =	ssyncadd.s32 $0xFFFFD8F0  }
0x7f: {  	[spmem:s4] =	stream.indirect.scatter.add.f32 [tilespmem:s20], [sflag:$0x3], $0x10, s3, s17, $0xb8;
	[tilespmem:$0x11530] =	vst v63  }
0x80: {  	_ =	swait.ge [sflag:s13], $0x2710  }
0x81: {  	[sflag:s13] =	ssyncset.done $0x0  }
0x82: {  	s19 =	simm.s32 $0x2018;
	[sflag:s13] =	ssyncadd.s32 $0xFFFFD8F0  }
0x83: {  	[tilespmem:s20], [sflag:$0x2] =	stream.indirect.gather [hbm4b:s1+s17], $0x10, s19, s17, $0xb8;
	[tilespmem:$0x11530] =	vst v63  }
0x84: {  	_ =	swait.ge [sflag:s21], $0x2710  }
0x85: {  	[sflag:s21] =	ssyncset.done $0x0  }
0x86: {  	s3 =	simm.s32 $0x4520;
	[sflag:s21] =	ssyncadd.s32 $0xFFFFD8F0  }
0x87: {  	[spmem:s4] =	stream.indirect.scatter.add.f32 [tilespmem:s18], [sflag:$0x3], $0x10, s3, s17, $0xb8;
	[tilespmem:$0x11530] =	vst v63  }
0x88: {  	_ =	swait.ge [sflag:s13], $0x2710  }
0x89: {  	[sflag:s13] =	ssyncset.done $0x0  }
0x8a: {  	[sflag:s13] =	ssyncadd.s32 $0xFFFFD8F0  }
0x8b: {  	[tilespmem:s18], [sflag:$0x1] =	stream.indirect.gather [hbm4b:s1+s17], $0x10, s22, s17, $0xb8;
	[tilespmem:$0x11530] =	vst v63  }
0x8c: {  	_ =	swait.ge [sflag:s23], $0x2710  }
0x8d: {  	[sflag:s23] =	ssyncset.done $0x0  }
0x8e: {  	[sflag:s23] =	ssyncadd.s32 $0xFFFFD8F0  }
0x8f: {  	[spmem:s4] =	stream.indirect.scatter.add.f32 [tilespmem:s20], [sflag:$0x3], $0x10, s24, s17, $0xb8;
	[tilespmem:$0x11530] =	vst v63  }
0x90: {  	_ =	swait.ge [sflag:s13], $0x2710  }
0x91: {  	[sflag:s13] =	ssyncset.done $0x0  }
0x92: {  	[sflag:s13] =	ssyncadd.s32 $0xFFFFD8F0  }
0x93: {  	[tilespmem:s20], [sflag:$0x2] =	stream.indirect.gather [hbm4b:s1+s17], $0x10, s25, s17, $0xb8;
	[tilespmem:$0x11530] =	vst v63  }
0x94: {  	_ =	swait.ge [sflag:s21], $0x2710  }
0x95: {  	[sflag:s21] =	ssyncset.done $0x0  }
0x96: {  	[sflag:s21] =	ssyncadd.s32 $0xFFFFD8F0  }
0x97: {  	[spmem:s4] =	stream.indirect.scatter.add.f32 [tilespmem:s18], [sflag:$0x3], $0x10, s26, s17, $0xb8;
	[tilespmem:$0x11530] =	vst v63  }
0x98: {  	_ =	swait.ge [sflag:s13], $0x2710  }
0x99: {  	[sflag:s13] =	ssyncset.done $0x0  }
0x9a: {  	[sflag:s13] =	ssyncadd.s32 $0xFFFFD8F0  }
0x9b: {  	_ =	swait.ge [sflag:s23], $0x2710  }
0x9c: {  	[sflag:s23] =	ssyncset.done $0x0  }
0x9d: {  	[sflag:s23] =	ssyncadd.s32 $0xFFFFD8F0  }
0x9e: {  	[spmem:s4] =	stream.indirect.scatter.add.f32 [tilespmem:s20], [sflag:$0x3], $0x10, s28, s17, $0xb8;
	[tilespmem:$0x11530] =	vst v63  }
0x9f: {  	_ =	swait.ge [sflag:s13], $0x2710  }
0xa0: {  	[sflag:s13] =	ssyncset.done $0x0  }
0xa1: {  	[sflag:s13] =	ssyncadd.s32 $0xFFFFD8F0  }
0xa2: {  	[bflag:$0x0] =	sbarrier.arrive $0xFFFF  }
0xa3: {  	[tilespmem:s29], [sflag:$0x3] =	stream.linear.gather [spmem:s8], $0x2800, $0x38;
	[tilespmem:$0x11530] =	vst v63  }
0xa4: {  	_ =	swait.ge [sflag:s13], $0x2800  }
0xa5: {  	[sflag:s13] =	ssyncset.done $0x0  }
0xa6: {  	[sflag:s13] =	ssyncadd.s32 $0xFFFFD800  }
0xa7: {  	[tilespmem:s30], [sflag:$0x3] =	stream.linear.gather [hbm4b:s10+s5], $0x2800, $0x38;
	[tilespmem:$0x11530] =	vst v63  }
0xa8: {  	_ =	swait.ge [sflag:s13], $0x2800  }
0xa9: {  	[sflag:s13] =	ssyncset.done $0x0  }
0xaa: {  	[sflag:s13] =	ssyncadd.s32 $0xFFFFD800  }
0xab: {  	s19 =	rddreg [dreg:$0x2]  }
0xac: {  	[tilespmem:s31], [sflag:$0x3] =	stream.linear.gather [hbm4b:s19+s5], $0x10, $0x38;
	[tilespmem:$0x11530] =	vst v63  }
0xad: {  	_ =	swait.ge [sflag:s13], $0x10  }
0xae: {  	[sflag:s13] =	ssyncset.done $0x0  }
0xaf: {  	[sflag:s13] =	ssyncadd.s32 $0xFFFFFFF0  }
0xb0: {  	v1 =	vld [tilespmem:$0x11520];
	_ =	sdelay $0x3  }
0xb1: {  	s0 =	simm.s32 $0x0  }
0xb2: {  	s3 =	simm.s32 $0x40;
	v2 =	vld [tilespmem:s0+$0xED20];
	v1 =	vmul.f32 v1, v0  }
.LBB2_2:
0xb3: {  	p0 =	sne.s32 s3, $0x9FC0;
	v3 =	vld [tilespmem:s0+$0xC520];
	_ =	sdelay $0x4  }
.Ltmp0:
0xb4: {  	v2 =	vmul.f32 v2, v3;
	(pc) =	sbr.rel @p0 .LBB2_2-.Ltmp0, $4  }
0xb5: {  	_ = 	snop  }
0xb6: {  	v3 =	vadd.f32 v2, v1  }
0xb7: {  	s19 =	sshra.s32 s3, $0x2  }
0xb8: {  	s3 =	sadd.s32 $0x40, s3;
	v2 =	vld [tilespmem:s19+$0xED20];
	[tilespmem:s0+$0xC520] =	vst v3;
	s0 =	smov.u32 s19  }
0xb9: {  	v3 =	vld [tilespmem:s0+$0xC520];
	_ =	sdelay $0x4  }
0xba: {  	v2 =	vmul.f32 v2, v3;
	_ =	sdelay $0x1  }
0xbb: {  	s2 =	sadd.s32 $0x1, s2;
	v1 =	vadd.f32 v2, v1  }
0xbc: {  	p0 =	sne.s32 s2, s12  }
.Ltmp1:
0xbd: {  	[tilespmem:s0+$0xC520] =	vst v1;
	(pc) =	sbr.rel @p0 .LBB2_1-.Ltmp1, $4  }
0xbe: {  	[hbm4b:s11+s5] =	stream.linear.scatter [tilespmem:s29], [sflag:$0x3], $0x2800, $0x38;
	[tilespmem:$0x11530] =	vst v63  }
0xbf: {  	_ =	swait.ge [sflag:s13], $0x2800  }
0xc0: {  	[sflag:s13] =	ssyncset.done $0x0  }
0xc1: {  	[sflag:s13] =	ssyncadd.s32 $0xFFFFD800  }
0xc2: {  	_ =	sfence.sel $0x180000  }
0xc3: {  	[bflag:$0x0] =	sbarrier.arrive $0xFFFF  }
0xc4: {  	_ =	strace $0x9000004D  }
0xc5: {  	s0 =	stileid.u32;
	[bflag:$0x2] =	sbarrier.arrive $0xFFFF  }
0xc6: {  	p0 =	sne.s32 s0, $0x0;
	s0 =	rddreg [dreg:$0x4]  }
0xc7: {  	s0 =	sadd.s32 @!p0 $0x100000, s0  }
0xc8: {  	[sflag:s0] =	ssyncadd.tile.s32 @!p0 $0x1;
	_ =	shalt  }
.Lfunc_end2:
_tile_overlayer_lowered:
.L_overlay_start_2:
0xc9: {  	(tag) =	ssettag $0x2  }
0xca: {  	s0 =	rddreg [dreg:$0x0];
	s2 =	stileid.u32  }
0xcb: {  	s1 =	rddreg [dreg:$0x1];
	p0 =	sne.s32 s2, $0x0  }
0xcc: {  	s3 =	rddreg [dreg:$0x2];
	[bflag:$0x3] =	sbarrier.arrive $0xFFFF;
	s2 =	simm.s32 @!p0 $0x1C03  }
0xcd: {  	[timem:s3], [sflag:s2] =	dma.local @!p0 [hbm:s0], s1  }
0xce: {  	s0 =	simm.s32 @!p0 $0x3  }
0xcf: {  	_ =	swait.ge @!p0 [sflag:s0], s1  }
0xd0: {  	s1 =	ssub.s32 @!p0 $0x0, s1;
	[sflag:s0] =	ssyncset.done @!p0 $0x0  }
0xd1: {  	[sflag:s0] =	ssyncadd.s32 @!p0 s1  }
0xd2: {  	[bflag:$0x3] =	sbarrier.arrive $0xFFFF  }
0xd3: {  	_ =	shalt  }

// kernel: kernel.7.cloned.1.call-start
scs
__scs_entry_jumppad:
0x0: {  	(pc) =	sbr.rel $0x88, $3  }
0x1: {  	(tag) =	ssettag $0x0;
	lr =	simm.s32 $0x1  }
0x2: {  	[smem:$0x3F9A] =	sst lr;
	_ =	strace $0xD0000000  }
0x3: {  	_ = 	snop  }
0x4: {  	_ = 	snop  }
0x5: {  	_ = 	snop  }
0x6: {  	_ = 	snop  }
0x7: {  	_ = 	snop  }
__scs_overlays_trampoline_lowered:
0x8: {  	[smem:$0x3FA9] =	sst s0  }
0x9: {  	[smem:$0x3FAA] =	sst s1  }
0xa: {  	[smem:$0x3FAB] =	sst s2  }
0xb: {  	[smem:$0x3FAC] =	sst s3  }
0xc: {  	[smem:$0x3FAD] =	sst s4  }
0xd: {  	[smem:$0x3FAE] =	sst s5  }
0xe: {  	[smem:$0x3FAF] =	sst s6  }
0xf: {  	[smem:$0x3FB0] =	sst s7  }
0x10: {  	[smem:$0x3FB1] =	sst s8  }
0x11: {  	[smem:$0x3FB2] =	sst s9;
	s0 =	simm.s32 @!p0 $0x0  }
0x12: {  	s1 =	sld [smem:$0x3F98];
	s0 =	simm.s32 @p0 $0x1  }
0x13: {  	[smem:$0x3FB3] =	sst s0;
	s0 =	simm.s32 @!p1 $0x0  }
0x14: {  	s2 =	sld [smem:$0x3F97];
	s0 =	simm.s32 @p1 $0x1  }
0x15: {  	[smem:$0x3FB4] =	sst s0;
	s0 =	simm.s32 @!p2 $0x0  }
0x16: {  	s3 =	sld [smem:$0x3FDB];
	s0 =	simm.s32 @p2 $0x1  }
0x17: {  	s4 =	simm.s32 $0x1BF5;
	[smem:$0x3FB6] =	sst s0  }
0x18: {  	s0 =	sld [smem:$0x3F99];
	_ =	swait.ge [sflag:s4], $0x0  }
0x19: {  	s7 =	sld [smem:$0x3F9A]  }
0x1a: {  	s8 =	sadd.s32 $0xFFFFE003, lr  }
0x1b: {  	s9 =	sadd.s32 $0xFFFFFEF7, lr;
	s5 =	simm.s32 $0xFFFFFFFF;
	p2 =	slt.u32 s8, $0xFFFFF086  }
0x1c: {  	p1 =	slt.u32 s9, $0xF7A;
	s5 =	simm.s32 @!p2 $0x0  }
0x1d: {  	s5 =	simm.s32 @p1 $0x1;
	p0 =	seq.s32 s7, s2  }
0x1e: {  	s7 =	smul.u32 @!p0 $0xF7A, s2;
	p2 =	seq.s32 @!p0 s5, $0x0  }
0x1f: {  	s9 =	smul.u32 $0xF7A, s1;
	s8 =	simm.s32 @!p0 $0x1BF5;
	p2 =	por !p2, p0  }
0x20: {  	[sflag:s8] =	ssyncset.s32 @!p0 $0xFFFFF086;
	s6 =	sadd.s32 @!p0 s3, s7;
	s7 =	simm.s32 @!p0 $0x108  }
0x21: {  	s3 =	sadd.s32 s3, s9;
	s6 =	sadd.s32 @!p0 $0x88, s6;
	s7 =	simm.s32 @p2 $0x1082  }
0x22: {  	[simem:s7], [sflag:s8] =	dma.local @!p0 [hbm:s6], $0xF7A  }
0x23: {  	s9 =	sor.u32 $0xD0000000, s2;
	s6 =	simm.s32 $0x108;
	_ =	swait.ge @!p0 [sflag:s8], $0x0  }
0x24: {  	s3 =	sadd.s32 $0x88, s3;
	s6 =	simm.s32 @!p1 $0x1082;
	[sflag:s4] =	ssyncset.s32 $0xFFFFF086  }
0x25: {  	[simem:s6], [sflag:s4] =	dma.local [hbm:s3], $0xF7A  }
0x26: {  	[smem:$0x3F9A] =	sst s1;
	(tag) =	ssettag s2;
	_ =	strace s9  }
0x27: {  	s1 =	sld [smem:$0x3FAA]  }
0x28: {  	s2 =	sld [smem:$0x3FAB]  }
0x29: {  	s4 =	sld [smem:$0x3FAD]  }
0x2a: {  	p0 =	seq.s32 s5, $0x0;
	s5 =	sld [smem:$0x3FAE]  }
0x2b: {  	s6 =	sld [smem:$0x3FAF]  }
0x2c: {  	s7 =	sld [smem:$0x3FB0]  }
0x2d: {  	s3 =	simm.s32 $0x108;
	s8 =	sld [smem:$0x3FB1]  }
0x2e: {  	s3 =	simm.s32 @!p0 $0x1082;
	s9 =	sld [smem:$0x3FB2]  }
0x2f: {  	lr =	sadd.s32 s0, s3;
	s0 =	sld [smem:$0x3FA9]  }
0x30: {  	s3 =	sld [smem:$0x3FAC]  }
0x31: {  	[smem:$0x3FB5] =	sst s10  }
0x32: {  	s10 =	sld [smem:$0x3FB3];
	_ =	sdelay $0x3  }
0x33: {  	p0 =	seq.s32 s10, $0x1;
	s10 =	sld [smem:$0x3FB5];
	_ =	sdelay $0x3  }
0x34: {  	[smem:$0x3FB5] =	sst s10  }
0x35: {  	s10 =	sld [smem:$0x3FB4];
	_ =	sdelay $0x3  }
0x36: {  	p1 =	seq.s32 s10, $0x1;
	s10 =	sld [smem:$0x3FB5];
	_ =	sdelay $0x3  }
0x37: {  	[smem:$0x3FB5] =	sst s10  }
0x38: {  	s10 =	sld [smem:$0x3FB6]  }
0x39: {  	_ = 	snop;
	(pc) =	sbr.ind lr, $3  }
0x3a: {  	_ = 	snop  }
0x3b: {  	_ = 	snop  }
0x3c: {  	p2 =	seq.s32 s10, $0x1;
	s10 =	sld [smem:$0x3FB5]  }
0x3d: {  	_ =	shalt  }
0x3e: {  	_ =	shalt  }
0x3f: {  	_ =	shalt  }
0x40: {  	_ =	shalt  }
0x41: {  	_ =	shalt  }
0x42: {  	_ =	shalt  }
0x43: {  	_ =	shalt  }
0x44: {  	_ =	shalt  }
0x45: {  	_ =	shalt  }
0x46: {  	_ =	shalt  }
0x47: {  	_ =	shalt  }
0x48: {  	_ =	shalt  }
0x49: {  	_ =	shalt  }
0x4a: {  	_ =	shalt  }
0x4b: {  	_ =	shalt  }
0x4c: {  	_ =	shalt  }
0x4d: {  	_ =	shalt  }
0x4e: {  	_ =	shalt  }
0x4f: {  	_ =	shalt  }
0x50: {  	_ =	shalt  }
0x51: {  	_ =	shalt  }
0x52: {  	_ =	shalt  }
0x53: {  	_ =	shalt  }
0x54: {  	_ =	shalt  }
0x55: {  	_ =	shalt  }
0x56: {  	_ =	shalt  }
0x57: {  	_ =	shalt  }
0x58: {  	_ =	shalt  }
0x59: {  	_ =	shalt  }
0x5a: {  	_ =	shalt  }
0x5b: {  	_ =	shalt  }
0x5c: {  	_ =	shalt  }
0x5d: {  	_ =	shalt  }
0x5e: {  	_ =	shalt  }
0x5f: {  	_ =	shalt  }
0x60: {  	_ =	shalt  }
0x61: {  	_ =	shalt  }
0x62: {  	_ =	shalt  }
0x63: {  	_ =	shalt  }
0x64: {  	_ =	shalt  }
0x65: {  	_ =	shalt  }
0x66: {  	_ =	shalt  }
0x67: {  	_ =	shalt  }
0x68: {  	_ =	shalt  }
0x69: {  	_ =	shalt  }
0x6a: {  	_ =	shalt  }
0x6b: {  	_ =	shalt  }
0x6c: {  	_ =	shalt  }
0x6d: {  	_ =	shalt  }
0x6e: {  	_ =	shalt  }
0x6f: {  	_ =	shalt  }
0x70: {  	_ =	shalt  }
0x71: {  	_ =	shalt  }
0x72: {  	_ =	shalt  }
0x73: {  	_ =	shalt  }
0x74: {  	_ =	shalt  }
0x75: {  	_ =	shalt  }
0x76: {  	_ =	shalt  }
0x77: {  	_ =	shalt  }
0x78: {  	_ =	shalt  }
0x79: {  	_ =	shalt  }
0x7a: {  	_ =	shalt  }
0x7b: {  	_ =	shalt  }
0x7c: {  	_ =	shalt  }
0x7d: {  	_ =	shalt  }
0x7e: {  	_ =	shalt  }
0x7f: {  	_ =	shalt  }
0x80: {  	_ =	shalt  }
0x81: {  	_ =	shalt  }
0x82: {  	_ =	shalt  }
0x83: {  	_ =	shalt  }
0x84: {  	_ =	shalt  }
0x85: {  	_ =	shalt  }
0x86: {  	_ =	shalt  }
0x87: {  	_ =	shalt  }
.Lfunc_end0:
.L_simem_size_0:
called_computation_lowered:
.L_overlay_start_0:
0x88: {  	s2 =	sld [smem:$0x3FD9]  }
0x89: {  	s3 =	sld [smem:$0x3FFE];
	_ =	sdelay $0x1  }
0x8a: {  	s1 =	srdreg.scid  }
0x8b: {  	s0 =	sand.u32 $0x1, s1  }
0x8c: {  	s17 =	sshll.u32 s0, $0xA;
	s2 =	sadd.s32 s3, s2  }
0x8d: {  	s2 =	sadd.s32 s2, s17  }
0x8e: {  	[smem:$0x3FC1] =	sst s2  }
0x8f: {  	_ = 	snop  }
0x90: {  	s2 =	sld [smem:$0x3FD0];
	(tm) =	ssettm $0x1  }
0x91: {  	s18 =	sld [smem:$0x3FFB];
	_ =	sdelay $0x3  }
0x92: {  	_ =	strace s18  }
0x93: {  	s3 =	sld [smem:$0x3FFC];
	_ =	sdelay $0x3  }
0x94: {  	_ =	strace s3  }
0x95: {  	s3 =	sld [smem:$0x3FFD];
	_ =	sdelay $0x3  }
0x96: {  	_ =	strace s3  }
0x97: {  	_ =	strace $0x8FFFFFFF  }
0x98: {  	s19 =	sld [smem:$0x3FDB];
	_ =	sdelay $0x1  }
0x99: {  	s4 =	simm.s32 $_scs_section_size  }
0x9a: {  	s5 =	simm.s32 $_size__tile_overlayer_lowered;
	s6 =	simm.s32 $_tile_overlayer_lowered  }
0x9b: {  	s22 =	simm.s32 $0x1BFF;
	s21 =	sshll.u32 s6, $0x1;
	s3 =	sadd.s32 s4, s19  }
0x9c: {  	s7 =	simm.s32 $0x0;
	s20 =	sshll.u32 s5, $0x1;
	s5 =	sadd.s32 s21, s3  }
0x9d: {  	[timem:s7], [sflag:s22] =	dma.local [hbm:s5], s20  }
0x9e: {  	_ =	swait.ge [sflag:s22], s20  }
0x9f: {  	s4 =	ssub.s32 $0x0, s20;
	[sflag:s22] =	ssyncset.done $0x0  }
0xa0: {  	[sflag:s22] =	ssyncadd.s32 s4;
	_ =	sdelay $0x1  }
0xa1: {  	s23 =	simm.s32 $0x1B8B  }
0xa2: {  	_ =	swait.ge [sflag:s23], $0x1  }
0xa3: {  	[sflag:s23] =	ssyncset.done $0x0  }
0xa4: {  	s25 =	simm.s32 $0x1B8E;
	s24 =	sld [smem:$0x3FFE];
	[sflag:s23] =	ssyncadd.s32 $0xFFFFFFFF  }
0xa5: {  	s26 =	simm.s32 $execute0_lowered;
	[smem:$0x3FD2] =	sst s25  }
0xa6: {  	s5 =	sshll.u32 s26, $0x1;
	_ =	strace $0x80000046;
	[dreg:$0x1] =	wrdreg $0xFFFFFFFF  }
0xa7: {  	s28 =	simm.s32 $_size_execute0_lowered;
	s3 =	sadd.s32 s3, s5;
	[dreg:$0x0] =	wrdreg $0x0  }
0xa8: {  	s5 =	sshll.u32 s28, $0x1;
	[dreg:$0x2] =	wrdreg s3  }
0xa9: {  	[dreg:$0x3] =	wrdreg s5  }
0xaa: {  	[dreg:$0x4] =	wrdreg $0xC0  }
0xab: {  	_ =	task [dreg:s7], $0x5FFFF  }
0xac: {  	[dreg:$0x1] =	wrdreg $0xFFFFFFFF  }
0xad: {  	[dreg:$0x0] =	wrdreg $0x60  }
0xae: {  	[dreg:$0x2] =	wrdreg s24  }
0xaf: {  	[dreg:$0x3] =	wrdreg s2  }
0xb0: {  	[dreg:$0x4] =	wrdreg $0x76100  }
0xb1: {  	[dreg:$0x5] =	wrdreg $0x9E100  }
0xb2: {  	[dreg:$0x6] =	wrdreg $0x9  }
0xb3: {  	_ =	task.clear_ibuf [dreg:s7], $0x7FFFF;
	_ =	strace $0x90000046  }
0xb4: {  	s29 =	simm.s32 $0x9;
	_ =	strace $0x80000048  }
0xb5: {  	_ =	swait.ge [sflag:s29], $0x1  }
0xb6: {  	[sflag:s29] =	ssyncadd.s32 $0xFFFFFFFF  }
0xb7: {  	_ =	strace $0x90000048  }
0xb8: {  	_ =	sfence  }
0xb9: {  	s30 =	sld [smem:$0x0];
	_ =	sdelay $0x2  }
0xba: {  	s31 =	sshll.u32 s1, $0xD;
	s1 =	sshrl.u32 s1, $0x2  }
0xbb: {  	s3 =	sand.u32 $0x4000, s31;
	s1 =	sadd.s32 s1, s30  }
0xbc: {  	s0 =	sor.u32 s3, s0;
	s1 =	sshll.u32 s1, $0x11  }
0xbd: {  	s0 =	sor.u32 s1, s0  }
0xbe: {  	s0 =	sadd.s32 $0x8F2B, s0  }
0xbf: {  	[sflag:s0] =	ssyncadd.remote.s32 $0x1  }
0xc0: {  	_ =	sfence.sel $0xFFFF  }
0xc1: {  	[dreg:$0x0] =	wrdreg $0xFFFFFFFF;
	(pc) =	sbr.abs _section_cstart, $3  }
0xc2: {  	[dreg:$0x1] =	wrdreg $0xFFFFFFFF  }
0xc3: {  	_ =	task.clear_ibuf [dreg:s7], $0x2FFFF;
	_ =	strace $0x9FFFFFFF  }
0xc4: {  	(tm) =	ssettm $0x7FFFFFFF  }
0xc5: {  	_ =	shalt  }
tec
execute0_lowered:
.L_overlay_start_1:
0x0: {  	(tag) =	ssettag $0x1  }
0x1: {  	s7 =	rddreg [dreg:$0x0]  }
0x2: {  	s2 =	rddreg [dreg:$0x1]  }
0x3: {  	s0 =	srdreg.scid;
	s3 =	rddreg [dreg:$0x2]  }
0x4: {  	s4 =	rddreg [dreg:$0x3];
	s5 =	simm.s32 $0x0;
	s13 =	simm.s32 $0x2780  }
0x5: {  	s14 =	simm.s32 $0x4F00;
	s6 =	sand.u32 $0x1, s0;
	s0 =	stileid.u32  }
0x6: {  	s18 =	simm.s32 $0x271;
	s19 =	simm.s32 $0x0;
	s9 =	smul.u32 $0x2800, s0  }
0x7: {  	[smem:$0x7FF] =	sst s5;
	s1 =	sshll.u32 s6, $0x4;
	s10 =	smul.u32 $0x28000, s6  }
0x8: {  	s6 =	ssub.s32 $0x2, s6;
	s15 =	sshll.u32 s0, $0x6;
	s1 =	sor.u32 s0, s1  }
0x9: {  	s31 =	sshrl.u32 s6, $0x1;
	s15 =	sor.u32 $0x1C01, s15;
	s8 =	smul.u32 $0x2780, s1  }
0xa: {  	s1 =	rddreg [dreg:$0x4];
	_ =	strace $0x80000047;
	s10 =	sadd.s32 s9, s10  }
0xb: {  	s11 =	sshrl.u32 s9, $0x3;
	s12 =	ssub.s32 s6, s31;
	s16 =	sadd.s32 s9, s3  }
0xc: {  	s17 =	sadd.s32 s9, s4;
	s10 =	sshrl.u32 s10, $0x3;
	s11 =	sadd.s32 s11, s7  }
0xd: {  	s16 =	sshrl.u32 s16, $0x3;
	s8 =	sshrl.u32 s8, $0x3;
	s10 =	sadd.s32 s10, s7  }
0xe: {  	s17 =	sshrl.u32 s17, $0x3;
	s8 =	sadd.s32 s8, s7;
	s9 =	sadd.s32 $0x25A00, s10  }
0xf: {  	s10 =	sadd.s32 $0x1BA00, s10;
	s6 =	sadd.s32 $0x2E00, s8;
	s7 =	sadd.s32 $0xCC00, s8  }
0x10: {  	s8 =	sadd.s32 $0x16A00, s11;
	s11 =	smax.u32 s12, $0x1;
	s12 =	simm.s32 $0x1  }
.LBB2_1:
0x11: {  	[tilespmem:s5], [sflag:$0x1] =	stream.linear.gather [hbm4b:s6+s5], $0x2780, $0x38;
	[tilespmem:$0xC610] =	vst v63  }
0x12: {  	_ =	swait.ge [sflag:s12], $0x2780  }
0x13: {  	[sflag:s12] =	ssyncset.done $0x0  }
0x14: {  	[sflag:s12] =	ssyncadd.s32 $0xFFFFD880  }
0x15: {  	[tilespmem:s13], [sflag:$0x1] =	stream.linear.gather [hbm4b:s7+s5], $0x2780, $0x38;
	[tilespmem:$0xC610] =	vst v63  }
0x16: {  	_ =	swait.ge [sflag:s12], $0x2780  }
0x17: {  	[sflag:s12] =	ssyncset.done $0x0  }
0x18: {  	[sflag:s12] =	ssyncadd.s32 $0xFFFFD880  }
0x19: {  	[tilespmem:s14], [sflag:$0x1] =	stream.linear.gather [hbm4b:s2+s5], $0x2710, $0x38;
	[tilespmem:$0xC610] =	vst v63  }
0x1a: {  	_ =	swait.ge [sflag:s12], $0x2710  }
0x1b: {  	[sflag:s12] =	ssyncset.done $0x0  }
0x1c: {  	[sflag:s12] =	ssyncadd.s32 $0xFFFFD8F0  }
0x1d: {  	[spmem:s16], [sflag:s15] =	dma.local [hbm:s8], $0x500  }
0x1e: {  	_ =	swait.ge [sflag:s12], $0x500  }
0x1f: {  	[sflag:s12] =	ssyncset.done $0x0  }
0x20: {  	[sflag:s12] =	ssyncadd.s32 $0xFFFFFB00  }
0x21: {  	[spmem:s17], [sflag:s15] =	dma.local [hbm:s8], $0x500  }
0x22: {  	_ =	swait.ge [sflag:s12], $0x500  }
0x23: {  	[sflag:s12] =	ssyncset.done $0x0  }
0x24: {  	[sflag:s12] =	ssyncadd.s32 $0xFFFFFB00  }
0x25: {  	s20 =	simm.s32 $0x0;
	[bflag:$0x0] =	sbarrier.arrive $0xFFFF  }
0x26: {  	[spmem:s3] =	stream.indirect.scatter.add.f32 [tilespmem:s14], [sflag:$0x1], $0x10, s20, s18, $0xb8;
	[tilespmem:$0xC610] =	vst v63  }
0x27: {  	_ =	swait.ge [sflag:s12], $0x2710  }
0x28: {  	[sflag:s12] =	ssyncset.done $0x0  }
0x29: {  	s31 =	simm.s32 $0x2780;
	[sflag:s12] =	ssyncadd.s32 $0xFFFFD8F0  }
0x2a: {  	[spmem:s4] =	stream.indirect.scatter.add.f32 [tilespmem:s14], [sflag:$0x1], $0x10, s31, s18, $0xb8;
	[tilespmem:$0xC610] =	vst v63  }
0x2b: {  	_ =	swait.ge [sflag:s12], $0x2710  }
0x2c: {  	s21 =	simm.s32 $0x13C0;
	s20 =	simm.s32 $0x9E0;
	[sflag:s12] =	ssyncset.done $0x0  }
.LBB2_2:
0x2d: {  	s22 =	sshra.s32 s20, $0x2  }
0x2e: {  	[sflag:s12] =	ssyncadd.s32 $0xFFFFD8F0;
	s20 =	smov.u32 s21;
	s23 =	sadd.s32 $0x9E0, s21  }
0x2f: {  	[spmem:s3] =	stream.indirect.scatter.add.f32 [tilespmem:s14], [sflag:$0x1], $0x10, s22, s18, $0xb8;
	[tilespmem:$0xC610] =	vst v63  }
0x30: {  	p0 =	sne.s32 s21, $0x9420;
	_ =	swait.ge [sflag:s12], $0x2710  }
.Ltmp0:
0x31: {  	[sflag:s12] =	ssyncset.done $0x0;
	(pc) =	sbr.rel @p0 .LBB2_2-.Ltmp0, $4  }
0x32: {  	s21 =	sadd.s32 $0x2780, s22;
	[sflag:s12] =	ssyncadd.s32 $0xFFFFD8F0  }
0x33: {  	[spmem:s4] =	stream.indirect.scatter.add.f32 [tilespmem:s14], [sflag:$0x1], $0x10, s21, s18, $0xb8;
	[tilespmem:$0xC610] =	vst v63  }
0x34: {  	_ =	swait.ge [sflag:s12], $0x2710  }
0x35: {  	s21 =	smov.u32 s23;
	[sflag:s12] =	ssyncset.done $0x0  }
0x36: {  	s20 =	sshra.s32 s20, $0x2;
	[sflag:s12] =	ssyncadd.s32 $0xFFFFD8F0  }
0x37: {  	[spmem:s3] =	stream.indirect.scatter.add.f32 [tilespmem:s14], [sflag:$0x1], $0x10, s20, s18, $0xb8;
	[tilespmem:$0xC610] =	vst v63  }
0x38: {  	_ =	swait.ge [sflag:s12], $0x2710  }
0x39: {  	[sflag:s12] =	ssyncset.done $0x0  }
0x3a: {  	s20 =	sadd.s32 $0x2780, s20;
	[sflag:s12] =	ssyncadd.s32 $0xFFFFD8F0  }
0x3b: {  	[spmem:s4] =	stream.indirect.scatter.add.f32 [tilespmem:s14], [sflag:$0x1], $0x10, s20, s18, $0xb8;
	[tilespmem:$0xC610] =	vst v63  }
0x3c: {  	_ =	swait.ge [sflag:s12], $0x2710  }
0x3d: {  	[sflag:s12] =	ssyncset.done $0x0  }
0x3e: {  	[sflag:s12] =	ssyncadd.s32 $0xFFFFD8F0  }
0x3f: {  	[bflag:$0x0] =	sbarrier.arrive $0xFFFF  }
0x40: {  	[hbm:s9], [sflag:s15] =	dma.local [spmem:s16], $0x500  }
0x41: {  	s19 =	sadd.s32 $0x1, s19;
	_ =	swait.ge [sflag:s12], $0x500  }
0x42: {  	p0 =	sne.s32 s19, s11;
	[sflag:s12] =	ssyncset.done $0x0  }
.Ltmp1:
0x43: {  	[sflag:s12] =	ssyncadd.s32 $0xFFFFFB00;
	(pc) =	sbr.rel @p0 .LBB2_1-.Ltmp1, $4  }
0x44: {  	[hbm:s10], [sflag:s15] =	dma.local [spmem:s17], $0x500  }
0x45: {  	_ =	swait.ge [sflag:s12], $0x500  }
0x46: {  	[sflag:s12] =	ssyncset.done $0x0  }
0x47: {  	[sflag:s12] =	ssyncadd.s32 $0xFFFFFB00  }
0x48: {  	_ =	sfence.sel $0x180000  }
0x49: {  	[bflag:$0x0] =	sbarrier.arrive $0xFFFF  }
0x4a: {  	p0 =	sne.s32 s0, $0x0;
	_ =	strace $0x90000047  }
0x4b: {  	s0 =	sadd.s32 @!p0 $0x100000, s1;
	[bflag:$0x2] =	sbarrier.arrive $0xFFFF  }
0x4c: {  	[sflag:s0] =	ssyncadd.tile.s32 @!p0 $0x1;
	_ =	shalt  }
.Lfunc_end2:
_tile_overlayer_lowered:
.L_overlay_start_2:
0x4d: {  	(tag) =	ssettag $0x2  }
0x4e: {  	s0 =	rddreg [dreg:$0x0];
	s2 =	stileid.u32  }
0x4f: {  	s1 =	rddreg [dreg:$0x1];
	p0 =	sne.s32 s2, $0x0  }
0x50: {  	s3 =	rddreg [dreg:$0x2];
	[bflag:$0x3] =	sbarrier.arrive $0xFFFF;
	s2 =	simm.s32 @!p0 $0x1C01  }
0x51: {  	[timem:s3], [sflag:s2] =	dma.local @!p0 [hbm:s0], s1  }
0x52: {  	s0 =	simm.s32 @!p0 $0x1  }
0x53: {  	_ =	swait.ge @!p0 [sflag:s0], s1  }
0x54: {  	s1 =	ssub.s32 @!p0 $0x0, s1;
	[sflag:s0] =	ssyncset.done @!p0 $0x0  }
0x55: {  	[sflag:s0] =	ssyncadd.s32 @!p0 s1  }
0x56: {  	[bflag:$0x3] =	sbarrier.arrive $0xFFFF  }
0x57: {  	_ =	shalt  }

</sc_bundles>
